<compile_context>
chip_gen: v7x
topology: tpu7x:2x2x1
jax: 0.10.2.dev20260603
libtpu: 0.0.44.dev20260713+nightly
codegen_flags: <defaults>
</compile_context>

<pallas_src>
import functools

import jax
import jax.numpy as jnp
from jax import lax
from jax.experimental import pallas as pl
from jax.experimental.pallas import tpu as pltpu
from jax.experimental.pallas import tpu_sc as plsc

F32 = jnp.float32
BF16 = jnp.bfloat16
I32 = jnp.int32


def _silu(x):
    return x * jax.nn.sigmoid(x)


def _ln(x, eps=1e-6):
    mu = jnp.mean(x, axis=-1, keepdims=True)
    var = jnp.mean((x - mu) * (x - mu), axis=-1, keepdims=True)
    return (x - mu) * jax.lax.rsqrt(var + eps)


def _dot_t(a, b, out_dtype=F32):
    return jax.lax.dot_general(a, b, (((1,), (1,)), ((), ())),
                               preferred_element_type=out_dtype)


def _ka(ada_ref, w_ref, b_ref, mod_ref):
    a = _silu(ada_ref[...])
    mod_ref[...] = _dot_t(a, w_ref[...]) + b_ref[...]


def _kb(nbatch_blocks, x_ref, mod_ref, wq_ref, wk_ref, wv_ref, qb_ref,
        kb_ref, vb_ref, qr_ref, kr_ref, q_out, k_out, v_out):
    r = pl.program_id(0)
    b = r // nbatch_blocks
    x = x_ref[...]
    d = x.shape[1]
    ln = _ln(x)
    shift = mod_ref[pl.ds(b, 1), pl.ds(0, d)]
    scale = mod_ref[pl.ds(b, 1), pl.ds(d, d)]
    xm = (ln * (1.0 + scale) + shift).astype(BF16)
    q = _dot_t(xm, wq_ref[...]) + qb_ref[...]
    k = _dot_t(xm, wk_ref[...]) + kb_ref[...]
    v = _dot_t(xm, wv_ref[...]) + vb_ref[...]
    q = q * jax.lax.rsqrt(jnp.mean(q * q, axis=-1, keepdims=True) + 1e-5)
    q = q * qr_ref[...]
    k = k * jax.lax.rsqrt(jnp.mean(k * k, axis=-1, keepdims=True) + 1e-5)
    k = k * kr_ref[...]
    q_out[...] = (q * 0.125).astype(BF16)
    k_out[...] = k.astype(BF16)
    v_out[...] = v.astype(BF16)


def _kc(nheads, head_dim, q_ref, k_ref, v_ref, o_ref):
    outs = []
    for h in range(nheads):
        sl = slice(h * head_dim, (h + 1) * head_dim)
        qh = q_ref[:, sl]
        kh = k_ref[:, sl]
        vh = v_ref[:, sl]
        s = _dot_t(qh, kh)
        m = jnp.max(s, axis=-1, keepdims=True)
        p = jnp.exp((s - m).astype(BF16))
        l = jnp.sum(p.astype(F32), axis=-1, keepdims=True)
        pb = p * (1.0 / l).astype(BF16)
        outs.append(jax.lax.dot_general(
            pb, vh, (((1,), (0,)), ((), ())), preferred_element_type=F32))
    o_ref[...] = jnp.concatenate(outs, axis=1).astype(BF16)


def _kd(nbatch_blocks, nexp, attn_ref, x0_ref, mod_ref, wo_ref, ob_ref,
        gw_ref, x_out, n2_out, n2f_out, wts_out):
    r = pl.program_id(0)
    b = r // nbatch_blocks
    d = x0_ref.shape[1]
    a = _dot_t(attn_ref[...], wo_ref[...]) + ob_ref[...]
    gate_msa = mod_ref[pl.ds(b, 1), pl.ds(2 * d, d)]
    x = gate_msa * a + x0_ref[...]
    x_out[...] = x
    ln = _ln(x)
    shift_mlp = mod_ref[pl.ds(b, 1), pl.ds(3 * d, d)]
    scale_mlp = mod_ref[pl.ds(b, 1), pl.ds(4 * d, d)]
    n2 = ln * (1.0 + scale_mlp) + shift_mlp
    n2_out[...] = n2.astype(BF16)
    n2f_out[...] = n2
    logits = _dot_t(n2, gw_ref[...])
    m = jnp.max(logits, axis=-1, keepdims=True)
    e = jnp.exp(logits - m)
    scores = e / jnp.sum(e, axis=-1, keepdims=True)
    cols = [scores[:, j:j + 1] for j in range(nexp)]
    wcols = []
    for i in range(nexp):
        cnt = jnp.zeros_like(cols[i])
        for j in range(nexp):
            if j == i:
                continue
            beats = (cols[j] > cols[i]) if j > i else (cols[j] >= cols[i])
            cnt = cnt + beats.astype(F32)
        wcols.append(jnp.where(cnt < 2.0, cols[i], 0.0))
    wts_out[...] = jnp.concatenate(wcols, axis=1)


def _kr(nrb, blk_rows, nbmax, wts_ref, s1_ref, s2_ref, w1_ref, w2_ref,
        blk_ref, carry_ref, poff_ref):
    p = pl.program_id(0)
    r = pl.program_id(1)
    rb, nexp = wts_ref.shape

    @pl.when(r == 0)
    def _reset():
        carry_ref[...] = jnp.zeros_like(carry_ref)

    wts = wts_ref[...]
    a = (wts > 0.0)
    abf = a.astype(BF16)
    li = lax.broadcasted_iota(I32, (rb, rb), 0)
    lj = lax.broadcasted_iota(I32, (rb, rb), 1)
    ltri = (lj < li).astype(BF16)
    pref = jax.lax.dot_general(ltri, abf, (((1,), (0,)), ((), ())),
                               preferred_element_type=F32)
    carry = carry_ref[...]
    rank = pref + carry
    carry_ref[...] = carry + jnp.sum(a.astype(F32), axis=0, keepdims=True)

    @pl.when(jnp.logical_and(p == 0, r == nrb - 1))
    def _mk_offsets():
        c = carry_ref[...]
        nblk = jnp.floor((c + (blk_rows - 1.0)) * (1.0 / blk_rows))
        cums = []
        acc = nblk[:, 0:1]
        cums.append(acc)
        for e in range(1, nexp):
            acc = acc + nblk[:, e:e + 1]
            cums.append(acc)
        poff = jnp.concatenate(
            [jnp.zeros_like(cums[0])] + cums[:-1], axis=1) * blk_rows
        poff_ref[...] = poff
        gi = lax.broadcasted_iota(I32, (1, nbmax), 1).astype(F32)
        eid = jnp.zeros((1, nbmax), F32)
        for e in range(nexp - 1):
            eid = eid + (gi >= cums[e]).astype(F32)
        blk_ref[...] = eid.astype(I32)

    @pl.when(p == 1)
    def _emit_slots():
        poff = poff_ref[...]
        slotm = poff + rank
        big = jnp.float32(1e9)
        s1v = jnp.min(jnp.where(a, slotm, big), axis=1, keepdims=True)
        s2v = jnp.max(jnp.where(a, slotm, -big), axis=1, keepdims=True)
        w1v = jnp.sum(jnp.where(slotm == s1v, wts, 0.0), axis=1,
                      keepdims=True)
        w2v = jnp.sum(jnp.where(slotm == s2v, wts, 0.0), axis=1,
                      keepdims=True)
        s1_ref[...] = s1v.astype(I32)
        s2_ref[...] = s2v.astype(I32)
        w1_ref[...] = w1v
        w2_ref[...] = w2v


def _sc_scatter_rows(n2, s1, s2, ns):
    nt, d = n2.shape
    nw = 32
    per_w = nt // nw
    chunk = 32
    nch = per_w // chunk
    mesh = plsc.VectorSubcoreMesh(core_axis_name="c", subcore_axis_name="s")

    def body(n2_hbm, s1_hbm, s2_hbm, xs_hbm, rows_v, idx_v, sem):
        wid = lax.axis_index("s") * 2 + lax.axis_index("c")
        base = wid * per_w

        @pl.loop(0, nch)
        def _(i):
            b = base + i * chunk
            pltpu.sync_copy(n2_hbm.at[pl.ds(b, chunk)], rows_v)
            pltpu.sync_copy(s1_hbm.at[pl.ds(b, chunk)], idx_v)
            pltpu.async_copy(rows_v, xs_hbm.at[idx_v], sem).wait()
            pltpu.sync_copy(s2_hbm.at[pl.ds(b, chunk)], idx_v)
            pltpu.async_copy(rows_v, xs_hbm.at[idx_v], sem).wait()

    return pl.kernel(
        body,
        out_type=jax.ShapeDtypeStruct((ns, d), F32),
        mesh=mesh,
        scratch_types=[pltpu.VMEM((chunk, d), F32),
                       pltpu.VMEM((chunk,), I32),
                       pltpu.SemaphoreType.DMA],
    )(n2, s1, s2)


def _sc_gather_rows(ys, s1, s2):
    ns, d = ys.shape
    nt = s1.shape[0]
    nw = 32
    per_w = nt // nw
    chunk = 32
    nch = per_w // chunk
    mesh = plsc.VectorSubcoreMesh(core_axis_name="c", subcore_axis_name="s")

    def body(ys_hbm, s1_hbm, s2_hbm, g1_hbm, g2_hbm, rows_v, idx_v, sem):
        wid = lax.axis_index("s") * 2 + lax.axis_index("c")
        base = wid * per_w

        @pl.loop(0, nch)
        def _(i):
            b = base + i * chunk
            pltpu.sync_copy(s1_hbm.at[pl.ds(b, chunk)], idx_v)
            pltpu.async_copy(ys_hbm.at[idx_v], rows_v, sem).wait()
            pltpu.sync_copy(rows_v, g1_hbm.at[pl.ds(b, chunk)])
            pltpu.sync_copy(s2_hbm.at[pl.ds(b, chunk)], idx_v)
            pltpu.async_copy(ys_hbm.at[idx_v], rows_v, sem).wait()
            pltpu.sync_copy(rows_v, g2_hbm.at[pl.ds(b, chunk)])

    return pl.kernel(
        body,
        out_type=(jax.ShapeDtypeStruct((nt, d), F32),
                  jax.ShapeDtypeStruct((nt, d), F32)),
        mesh=mesh,
        scratch_types=[pltpu.VMEM((chunk, d), F32),
                       pltpu.VMEM((chunk,), I32),
                       pltpu.SemaphoreType.DMA],
    )(ys, s1, s2)


def _ks(eid_ref, xs_ref, w1_ref, w3_ref, w2_ref, ys_ref):
    x = xs_ref[...].astype(BF16)
    g = _dot_t(x, w1_ref[0])
    u = _dot_t(x, w3_ref[0])
    h1 = (_silu(g) * u).astype(BF16)
    ys_ref[...] = _dot_t(h1, w2_ref[0])


def _kf(nbatch_blocks, n2_ref, g1_ref, g2_ref, wt1_ref, wt2_ref, x_ref,
        mod_ref, w1_ref, w3_ref, w2_ref, out_ref):
    r = pl.program_id(0)
    b = r // nbatch_blocks
    d = x_ref.shape[1]
    n2 = n2_ref[...]
    g = _dot_t(n2, w1_ref[...])
    u = _dot_t(n2, w3_ref[...])
    h1 = (_silu(g) * u).astype(BF16)
    sh = _dot_t(h1, w2_ref[...])
    y = wt1_ref[...] * g1_ref[...] + wt2_ref[...] * g2_ref[...] + sh
    gate_mlp = mod_ref[pl.ds(b, 1), pl.ds(5 * d, d)]
    out_ref[...] = gate_mlp * y + x_ref[...]


def kernel(image_tokens, adaln_input, adaln_w, adaln_b, q_w, q_b, k_w, k_b,
           v_w, v_b, o_w, o_b, q_rms, k_rms, gate_w, experts_w1, experts_w2,
           experts_w3, shared_w1, shared_w2, shared_w3):
    bsz, s, d = image_tokens.shape
    nt = bsz * s
    nexp, exp_hid, _ = experts_w1.shape
    shared_hid = shared_w1.shape[0]
    nheads = d // 64
    head_dim = 64

    rb = 512 if s % 512 == 0 else s
    nbb = s // rb
    nrb = nt // rb

    x0 = image_tokens.reshape(nt, d)
    row2 = lambda a: a.reshape(1, -1)

    mod = pl.pallas_call(
        _ka,
        out_shape=jax.ShapeDtypeStruct((bsz, 6 * d), F32),
    )(adaln_input, adaln_w, row2(adaln_b))

    blk_row = pl.BlockSpec((rb, d), lambda r: (r, 0))
    full = lambda a: pl.BlockSpec(a.shape, lambda r: (0,) * a.ndim)
    wq, wk, wv = (w.astype(BF16) for w in (q_w, k_w, v_w))
    qb2, kb2, vb2 = row2(q_b), row2(k_b), row2(v_b)
    qr2, kr2 = row2(q_rms), row2(k_rms)
    q, k, v = pl.pallas_call(
        functools.partial(_kb, nbb),
        grid=(nrb,),
        in_specs=[blk_row, full(mod), full(wq), full(wk), full(wv),
                  full(qb2), full(kb2), full(vb2), full(qr2), full(kr2)],
        out_specs=(blk_row, blk_row, blk_row),
        out_shape=tuple(jax.ShapeDtypeStruct((nt, d), BF16) for _ in range(3)),
    )(x0, mod, wq, wk, wv, qb2, kb2, vb2, qr2, kr2)

    attn = pl.pallas_call(
        functools.partial(_kc, nheads, head_dim),
        grid=(bsz, nbb),
        in_specs=[
            pl.BlockSpec((rb, d), lambda b, qb: (b * nbb + qb, 0)),
            pl.BlockSpec((s, d), lambda b, qb: (b, 0)),
            pl.BlockSpec((s, d), lambda b, qb: (b, 0)),
        ],
        out_specs=pl.BlockSpec((rb, d), lambda b, qb: (b * nbb + qb, 0)),
        out_shape=jax.ShapeDtypeStruct((nt, d), BF16),
        compiler_params=pltpu.CompilerParams(
            dimension_semantics=("parallel", "arbitrary"),
        ),
    )(q, k, v)

    wo = o_w.astype(BF16)
    ob2, gw = row2(o_b), gate_w
    x, n2, n2f, wts = pl.pallas_call(
        functools.partial(_kd, nbb, nexp),
        grid=(nrb,),
        in_specs=[blk_row, blk_row, full(mod), full(wo), full(ob2), full(gw)],
        out_specs=(blk_row, blk_row, blk_row,
                   pl.BlockSpec((rb, nexp), lambda r: (r, 0))),
        out_shape=(jax.ShapeDtypeStruct((nt, d), F32),
                   jax.ShapeDtypeStruct((nt, d), BF16),
                   jax.ShapeDtypeStruct((nt, d), F32),
                   jax.ShapeDtypeStruct((nt, nexp), F32)),
    )(attn, x0, mod, wo, ob2, gw)

    br = 256
    nbmax = (2 * nt) // br + nexp - 1
    ns = nbmax * br
    s1, s2, wt1, wt2, blk_eid = pl.pallas_call(
        functools.partial(_kr, nrb, float(br), nbmax),
        grid=(2, nrb),
        in_specs=[pl.BlockSpec((rb, nexp), lambda p, r: (r, 0))],
        out_specs=(pl.BlockSpec((rb, 1), lambda p, r: (r, 0)),
                   pl.BlockSpec((rb, 1), lambda p, r: (r, 0)),
                   pl.BlockSpec((rb, 1), lambda p, r: (r, 0)),
                   pl.BlockSpec((rb, 1), lambda p, r: (r, 0)),
                   pl.BlockSpec((1, nbmax), lambda p, r: (0, 0))),
        out_shape=(jax.ShapeDtypeStruct((nt, 1), I32),
                   jax.ShapeDtypeStruct((nt, 1), I32),
                   jax.ShapeDtypeStruct((nt, 1), F32),
                   jax.ShapeDtypeStruct((nt, 1), F32),
                   jax.ShapeDtypeStruct((1, nbmax), I32)),
        scratch_shapes=[pltpu.VMEM((1, nexp), F32),
                        pltpu.VMEM((1, nexp), F32)],
        compiler_params=pltpu.CompilerParams(
            dimension_semantics=("arbitrary", "arbitrary")),
    )(wts)
    s1f = s1.reshape(nt)
    s2f = s2.reshape(nt)

    xs = _sc_scatter_rows(n2f, s1f, s2f, ns)

    ew1 = experts_w1.astype(BF16)
    ew2 = experts_w2.astype(BF16)
    ew3 = experts_w3.astype(BF16)
    ys = pl.pallas_call(
        _ks,
        grid_spec=pltpu.PrefetchScalarGridSpec(
            num_scalar_prefetch=1,
            grid=(nbmax,),
            in_specs=[
                pl.BlockSpec((br, d), lambda g, eid: (g, 0)),
                pl.BlockSpec((1, exp_hid, d), lambda g, eid: (eid[0, g], 0, 0)),
                pl.BlockSpec((1, exp_hid, d), lambda g, eid: (eid[0, g], 0, 0)),
                pl.BlockSpec((1, d, exp_hid), lambda g, eid: (eid[0, g], 0, 0)),
            ],
            out_specs=pl.BlockSpec((br, d), lambda g, eid: (g, 0)),
        ),
        out_shape=jax.ShapeDtypeStruct((ns, d), F32),
        compiler_params=pltpu.CompilerParams(
            dimension_semantics=("arbitrary",),
            vmem_limit_bytes=100 * 1024 * 1024,
        ),
    )(blk_eid, xs, ew1, ew3, ew2)

    g1, g2 = _sc_gather_rows(ys, s1f, s2f)

    sw1, sw3, sw2 = (w.astype(BF16) for w in (shared_w1, shared_w3, shared_w2))
    wcol = pl.BlockSpec((rb, 1), lambda r: (r, 0))
    out = pl.pallas_call(
        functools.partial(_kf, nbb),
        grid=(nrb,),
        in_specs=[blk_row, blk_row, blk_row, wcol, wcol, blk_row, full(mod),
                  full(sw1), full(sw3), full(sw2)],
        out_specs=blk_row,
        out_shape=jax.ShapeDtypeStruct((nt, d), F32),
    )(n2, g1, g2, wt1, wt2, x, mod, sw1, sw3, sw2)

    return out.reshape(bsz, s, d)

# --- scband reference (transcript-rebuilt; emitter-appended) ---
"""Pipeline reference for scband-hi-dream-image-single-transformer-block-7937099563049 (READ-ONLY COPY).

The authoritative reference and input builder live on the scoring server;
editing this copy changes nothing except your own understanding.
"""

import jax, jax.numpy as jnp
import numpy as np

DIM = 1024
HEADS = 16
HEAD_DIM = 64
N_EXPERTS = 4
TOP_K = 2
EXP_HID = 2816
SHARED_HID = 1536
B = 2
S = 2048


def setup_inputs(seed: int = 0):
    key = jax.random.key(seed)
    ks = jax.random.split(key, 16)
    def p(k, shape, s=0.02):
        return jax.random.normal(k, shape, dtype=jnp.float32) * s
    return {
        "image_tokens": jax.random.normal(ks[0], (B, S, DIM), dtype=jnp.float32),
        "adaln_input": jax.random.normal(ks[1], (B, DIM), dtype=jnp.float32),
        "adaln_w": p(ks[2], (6 * DIM, DIM)),
        "adaln_b": jnp.zeros((6 * DIM,), jnp.float32),
        "q_w": p(ks[3], (DIM, DIM)), "q_b": jnp.zeros((DIM,), jnp.float32),
        "k_w": p(ks[4], (DIM, DIM)), "k_b": jnp.zeros((DIM,), jnp.float32),
        "v_w": p(ks[5], (DIM, DIM)), "v_b": jnp.zeros((DIM,), jnp.float32),
        "o_w": p(ks[6], (DIM, DIM)), "o_b": jnp.zeros((DIM,), jnp.float32),
        "q_rms": jnp.ones((DIM,), jnp.float32),
        "k_rms": jnp.ones((DIM,), jnp.float32),
        "gate_w": p(ks[7], (N_EXPERTS, DIM)),
        "experts_w1": p(ks[8], (N_EXPERTS, EXP_HID, DIM)),
        "experts_w2": p(ks[9], (N_EXPERTS, DIM, EXP_HID)),
        "experts_w3": p(ks[10], (N_EXPERTS, EXP_HID, DIM)),
        "shared_w1": p(ks[11], (SHARED_HID, DIM)),
        "shared_w2": p(ks[12], (DIM, SHARED_HID)),
        "shared_w3": p(ks[13], (SHARED_HID, DIM)),
    }


def _layer_norm(x, eps=1e-6):
    mu = jnp.mean(x, axis=-1, keepdims=True)
    var = jnp.var(x, axis=-1, keepdims=True)
    return (x - mu) / jnp.sqrt(var + eps)


def _rms_norm(x, w, eps=1e-5):
    return x * jax.lax.rsqrt(jnp.mean(x * x, axis=-1, keepdims=True) + eps) * w


def _ffn_swiglu(x, w1, w2, w3):
    return (jax.nn.silu(x @ w1.T) * (x @ w3.T)) @ w2.T


def _attention(x, q_w, q_b, k_w, k_b, v_w, v_b, o_w, o_b, q_rms, k_rms):
    b, s, d = x.shape
    q = _rms_norm(x @ q_w.T + q_b, q_rms)
    k = _rms_norm(x @ k_w.T + k_b, k_rms)
    v = x @ v_w.T + v_b
    q = q.reshape(b, s, HEADS, HEAD_DIM).transpose(0, 2, 1, 3)
    k = k.reshape(b, s, HEADS, HEAD_DIM).transpose(0, 2, 1, 3)
    v = v.reshape(b, s, HEADS, HEAD_DIM).transpose(0, 2, 1, 3)
    scores = jnp.einsum('bhqd,bhkd->bhqk', q, k) / jnp.sqrt(jnp.float32(HEAD_DIM))
    attn = jax.nn.softmax(scores, axis=-1)
    out = jnp.einsum('bhqk,bhkd->bhqd', attn, v)
    out = out.transpose(0, 2, 1, 3).reshape(b, s, d)
    return out @ o_w.T + o_b


def _moe(x2d, gate_w, ew1, ew2, ew3):
    logits = x2d @ gate_w.T
    scores = jax.nn.softmax(logits, axis=-1)
    topk_w, topk_idx = jax.lax.top_k(scores, TOP_K)
    # norm_topk_prob=False in MoEGate, so no renormalization
    y = jnp.zeros_like(x2d)
    for e in range(N_EXPERTS):
        ye = _ffn_swiglu(x2d, ew1[e], ew2[e], ew3[e])
        we = jnp.sum(jnp.where(topk_idx == e, topk_w, 0.0), axis=-1, keepdims=True)
        y = y + we * ye
    return y


def reference(image_tokens, adaln_input, adaln_w, adaln_b, q_w, q_b, k_w, k_b, v_w, v_b, o_w, o_b, q_rms, k_rms, gate_w, experts_w1, experts_w2, experts_w3, shared_w1, shared_w2, shared_w3):
    mod = (jax.nn.silu(adaln_input) @ adaln_w.T + adaln_b)[:, None, :]
    shift_msa, scale_msa, gate_msa, shift_mlp, scale_mlp, gate_mlp = jnp.split(mod, 6, axis=-1)
    norm_x = _layer_norm(image_tokens) * (1 + scale_msa) + shift_msa
    attn_out = _attention(norm_x, q_w, q_b, k_w, k_b, v_w, v_b, o_w, o_b, q_rms, k_rms)
    x = gate_msa * attn_out + image_tokens
    norm_x2 = _layer_norm(x) * (1 + scale_mlp) + shift_mlp
    bsz, s, d = norm_x2.shape
    flat = norm_x2.reshape(-1, d)
    y = _moe(flat, gate_w, experts_w1, experts_w2, experts_w3).reshape(bsz, s, d)
    y = y + _ffn_swiglu(norm_x2, shared_w1, shared_w2, shared_w3)
    return gate_mlp * y + x

if __name__ == "__main__":
    import jax
    _d = setup_inputs()
    print(jax.jit(kernel)(*tuple(_d.values())))

</pallas_src>

<mosaic_0001>
#map = affine_map<(d0, d1) -> (0, 0)>
#map1 = affine_map<(d0, d1) -> (0)>
module attributes {stable_mosaic.version = 14 : i64} {
  func.func @body(%arg0: i32, %arg1: i32, %arg2: memref<4096x1024xf32, #tpu.memory_space<hbm>>, %arg3: memref<4096xi32, #tpu.memory_space<hbm>>, %arg4: memref<4096xi32, #tpu.memory_space<hbm>>, %arg5: memref<8960x1024xf32, #tpu.memory_space<hbm>>, %arg6: memref<32x1024xf32, #tpu.memory_space<vmem>>, %arg7: memref<32xi32, #tpu.memory_space<vmem>>, %arg8: memref<!tpu.dma_semaphore, #tpu.memory_space<semaphore_mem>>) attributes {dimension_semantics = [#tpu.dimension_semantics<core_parallel>, #tpu.dimension_semantics<subcore_parallel>], iteration_bounds = array<i64: 2, 16>, scalar_prefetch = 0 : i64, scratch_operands = 3 : i64, tpu.core_type = #tpu.core_type<sc_vector_subcore>, window_params = [{transform_indices = #map}, {transform_indices = #map1}, {transform_indices = #map1}, {transform_indices = #map}]} {
    %mul3A = arith.constant 2 : i32
    %mul3A_0 = arith.muli %arg1, %mul3A : i32
    %add3A = arith.addi %mul3A_0, %arg0 : i32
    %mul3A_1 = arith.constant 128 : i32
    %mul3A_2 = arith.muli %add3A, %mul3A_1 : i32
    %scan3A = arith.constant 0 : i32
    %scan3A_3 = arith.constant 4 : i32
    %scan3A_4 = arith.addi %scan3A, %scan3A_3 : i32
    %scan3A_5 = arith.constant 1 : i32
    scf.for %scan3A_7 = %scan3A to %scan3A_4 step %scan3A_5  : i32 {
      %mul3A_8 = arith.constant 1 : i32
      %mul3A_9 = arith.muli %scan3A_7, %mul3A_8 : i32
      %add3A_10 = arith.constant 0 : i32
      %add3A_11 = arith.addi %add3A_10, %mul3A_9 : i32
      %mul3A_12 = arith.constant 32 : i32
      %mul3A_13 = arith.muli %add3A_11, %mul3A_12 : i32
      %add3A_14 = arith.addi %mul3A_2, %mul3A_13 : i32
      "tpu.region"() ({
        %run_scoped3A = tpu.sem_alloc : memref<!tpu.dma_semaphore, #tpu.memory_space<semaphore_mem>>
        %dma_start3A_25 = arith.constant 0 : i32
        %dma_start3A_26 = tpu.memref_slice %arg2[%add3A_14, %dma_start3A_25] : memref<4096x1024xf32, #tpu.memory_space<hbm>> -> memref<32x1024xf32, #tpu.memory_space<hbm>>
        %dma_start3A_27 = arith.constant 0 : i32
        %dma_start3A_28 = tpu.memref_slice %arg2[%add3A_14, %dma_start3A_27] : memref<4096x1024xf32, #tpu.memory_space<hbm>> -> memref<32x1024xf32, #tpu.memory_space<hbm>>
        tpu.enqueue_dma source(%dma_start3A_28 : memref<32x1024xf32, #tpu.memory_space<hbm>>) target(%arg6 : memref<32x1024xf32, #tpu.memory_space<vmem>>) target_semaphore(%run_scoped3A : memref<!tpu.dma_semaphore, #tpu.memory_space<semaphore_mem>>)
        %dma_wait3A_29 = arith.constant 0 : i32
        %dma_wait3A_30 = tpu.memref_slice %arg2[%add3A_14, %dma_wait3A_29] : memref<4096x1024xf32, #tpu.memory_space<hbm>> -> memref<32x1024xf32, #tpu.memory_space<hbm>>
        %dma_wait3A_31 = arith.constant 0 : i32
        %dma_wait3A_32 = tpu.memref_slice %arg2[%add3A_14, %dma_wait3A_31] : memref<4096x1024xf32, #tpu.memory_space<hbm>> -> memref<32x1024xf32, #tpu.memory_space<hbm>>
        tpu.wait_dma2 semaphore(%run_scoped3A : memref<!tpu.dma_semaphore, #tpu.memory_space<semaphore_mem>>) src(%dma_wait3A_32 : memref<32x1024xf32, #tpu.memory_space<hbm>>) dst(%arg6 : memref<32x1024xf32, #tpu.memory_space<vmem>>)
        tpu.yield
      }) : () -> ()
      "tpu.region"() ({
        %run_scoped3A = tpu.sem_alloc : memref<!tpu.dma_semaphore, #tpu.memory_space<semaphore_mem>>
        %dma_start3A_25 = tpu.memref_slice %arg3[%add3A_14] : memref<4096xi32, #tpu.memory_space<hbm>> -> memref<32xi32, #tpu.memory_space<hbm>>
        %dma_start3A_26 = tpu.memref_slice %arg3[%add3A_14] : memref<4096xi32, #tpu.memory_space<hbm>> -> memref<32xi32, #tpu.memory_space<hbm>>
        tpu.enqueue_dma source(%dma_start3A_26 : memref<32xi32, #tpu.memory_space<hbm>>) target(%arg7 : memref<32xi32, #tpu.memory_space<vmem>>) target_semaphore(%run_scoped3A : memref<!tpu.dma_semaphore, #tpu.memory_space<semaphore_mem>>)
        %dma_wait3A_27 = tpu.memref_slice %arg3[%add3A_14] : memref<4096xi32, #tpu.memory_space<hbm>> -> memref<32xi32, #tpu.memory_space<hbm>>
        %dma_wait3A_28 = tpu.memref_slice %arg3[%add3A_14] : memref<4096xi32, #tpu.memory_space<hbm>> -> memref<32xi32, #tpu.memory_space<hbm>>
        tpu.wait_dma2 semaphore(%run_scoped3A : memref<!tpu.dma_semaphore, #tpu.memory_space<semaphore_mem>>) src(%dma_wait3A_28 : memref<32xi32, #tpu.memory_space<hbm>>) dst(%arg7 : memref<32xi32, #tpu.memory_space<vmem>>)
        tpu.yield
      }) : () -> ()
      %dma_start3A = arith.constant 0 : i32
      %dma_start3A_15 = arith.constant 0 : i32
      %dma_start3A_16 = tpu.memref_slice %arg5[%dma_start3A, %dma_start3A_15] : memref<8960x1024xf32, #tpu.memory_space<hbm>> -> memref<8960x1024xf32, #tpu.memory_space<hbm>>
      tpu.enqueue_indirect_dma source(%arg6 : memref<32x1024xf32, #tpu.memory_space<vmem>>) target(%dma_start3A_16 : memref<8960x1024xf32, #tpu.memory_space<hbm>>) offsets(%arg7 : memref<32xi32, #tpu.memory_space<vmem>>) semaphore(%arg8 : memref<!tpu.dma_semaphore, #tpu.memory_space<semaphore_mem>>)
      %dma_wait3A = arith.constant 0 : i32
      %dma_wait3A_17 = arith.constant 0 : i32
      %dma_wait3A_18 = tpu.memref_slice %arg5[%dma_wait3A, %dma_wait3A_17] : memref<8960x1024xf32, #tpu.memory_space<hbm>> -> memref<8960x1024xf32, #tpu.memory_space<hbm>>
      tpu.wait_indirect_dma semaphore(%arg8 : memref<!tpu.dma_semaphore, #tpu.memory_space<semaphore_mem>>) src(%arg6 : memref<32x1024xf32, #tpu.memory_space<vmem>>) dst(%dma_wait3A_18 : memref<8960x1024xf32, #tpu.memory_space<hbm>>)
      "tpu.region"() ({
        %run_scoped3A = tpu.sem_alloc : memref<!tpu.dma_semaphore, #tpu.memory_space<semaphore_mem>>
        %dma_start3A_25 = tpu.memref_slice %arg4[%add3A_14] : memref<4096xi32, #tpu.memory_space<hbm>> -> memref<32xi32, #tpu.memory_space<hbm>>
        %dma_start3A_26 = tpu.memref_slice %arg4[%add3A_14] : memref<4096xi32, #tpu.memory_space<hbm>> -> memref<32xi32, #tpu.memory_space<hbm>>
        tpu.enqueue_dma source(%dma_start3A_26 : memref<32xi32, #tpu.memory_space<hbm>>) target(%arg7 : memref<32xi32, #tpu.memory_space<vmem>>) target_semaphore(%run_scoped3A : memref<!tpu.dma_semaphore, #tpu.memory_space<semaphore_mem>>)
        %dma_wait3A_27 = tpu.memref_slice %arg4[%add3A_14] : memref<4096xi32, #tpu.memory_space<hbm>> -> memref<32xi32, #tpu.memory_space<hbm>>
        %dma_wait3A_28 = tpu.memref_slice %arg4[%add3A_14] : memref<4096xi32, #tpu.memory_space<hbm>> -> memref<32xi32, #tpu.memory_space<hbm>>
        tpu.wait_dma2 semaphore(%run_scoped3A : memref<!tpu.dma_semaphore, #tpu.memory_space<semaphore_mem>>) src(%dma_wait3A_28 : memref<32xi32, #tpu.memory_space<hbm>>) dst(%arg7 : memref<32xi32, #tpu.memory_space<vmem>>)
        tpu.yield
      }) : () -> ()
      %dma_start3A_19 = arith.constant 0 : i32
      %dma_start3A_20 = arith.constant 0 : i32
      %dma_start3A_21 = tpu.memref_slice %arg5[%dma_start3A_19, %dma_start3A_20] : memref<8960x1024xf32, #tpu.memory_space<hbm>> -> memref<8960x1024xf32, #tpu.memory_space<hbm>>
      tpu.enqueue_indirect_dma source(%arg6 : memref<32x1024xf32, #tpu.memory_space<vmem>>) target(%dma_start3A_21 : memref<8960x1024xf32, #tpu.memory_space<hbm>>) offsets(%arg7 : memref<32xi32, #tpu.memory_space<vmem>>) semaphore(%arg8 : memref<!tpu.dma_semaphore, #tpu.memory_space<semaphore_mem>>)
      %dma_wait3A_22 = arith.constant 0 : i32
      %dma_wait3A_23 = arith.constant 0 : i32
      %dma_wait3A_24 = tpu.memref_slice %arg5[%dma_wait3A_22, %dma_wait3A_23] : memref<8960x1024xf32, #tpu.memory_space<hbm>> -> memref<8960x1024xf32, #tpu.memory_space<hbm>>
      tpu.wait_indirect_dma semaphore(%arg8 : memref<!tpu.dma_semaphore, #tpu.memory_space<semaphore_mem>>) src(%arg6 : memref<32x1024xf32, #tpu.memory_space<vmem>>) dst(%dma_wait3A_24 : memref<8960x1024xf32, #tpu.memory_space<hbm>>)
    }
    %scan3A_6 = arith.constant 4 : i32
    return
  }
}

#map = affine_map<(d0, d1) -> (0, 0)>
#map1 = affine_map<(d0, d1) -> (0)>
module attributes {stable_mosaic.version = 14 : i64} {
  func.func @body(%arg0: i32, %arg1: i32, %arg2: memref<8960x1024xf32, #tpu.memory_space<hbm>>, %arg3: memref<4096xi32, #tpu.memory_space<hbm>>, %arg4: memref<4096xi32, #tpu.memory_space<hbm>>, %arg5: memref<4096x1024xf32, #tpu.memory_space<hbm>>, %arg6: memref<4096x1024xf32, #tpu.memory_space<hbm>>, %arg7: memref<32x1024xf32, #tpu.memory_space<vmem>>, %arg8: memref<32xi32, #tpu.memory_space<vmem>>, %arg9: memref<!tpu.dma_semaphore, #tpu.memory_space<semaphore_mem>>) attributes {dimension_semantics = [#tpu.dimension_semantics<core_parallel>, #tpu.dimension_semantics<subcore_parallel>], iteration_bounds = array<i64: 2, 16>, scalar_prefetch = 0 : i64, scratch_operands = 3 : i64, tpu.core_type = #tpu.core_type<sc_vector_subcore>, window_params = [{transform_indices = #map}, {transform_indices = #map1}, {transform_indices = #map1}, {transform_indices = #map}, {transform_indices = #map}]} {
    %mul3A = arith.constant 2 : i32
    %mul3A_0 = arith.muli %arg1, %mul3A : i32
    %add3A = arith.addi %mul3A_0, %arg0 : i32
    %mul3A_1 = arith.constant 128 : i32
    %mul3A_2 = arith.muli %add3A, %mul3A_1 : i32
    %scan3A = arith.constant 0 : i32
    %scan3A_3 = arith.constant 4 : i32
    %scan3A_4 = arith.addi %scan3A, %scan3A_3 : i32
    %scan3A_5 = arith.constant 1 : i32
    scf.for %scan3A_7 = %scan3A to %scan3A_4 step %scan3A_5  : i32 {
      %mul3A_8 = arith.constant 1 : i32
      %mul3A_9 = arith.muli %scan3A_7, %mul3A_8 : i32
      %add3A_10 = arith.constant 0 : i32
      %add3A_11 = arith.addi %add3A_10, %mul3A_9 : i32
      %mul3A_12 = arith.constant 32 : i32
      %mul3A_13 = arith.muli %add3A_11, %mul3A_12 : i32
      %add3A_14 = arith.addi %mul3A_2, %mul3A_13 : i32
      "tpu.region"() ({
        %run_scoped3A = tpu.sem_alloc : memref<!tpu.dma_semaphore, #tpu.memory_space<semaphore_mem>>
        %dma_start3A_25 = tpu.memref_slice %arg3[%add3A_14] : memref<4096xi32, #tpu.memory_space<hbm>> -> memref<32xi32, #tpu.memory_space<hbm>>
        %dma_start3A_26 = tpu.memref_slice %arg3[%add3A_14] : memref<4096xi32, #tpu.memory_space<hbm>> -> memref<32xi32, #tpu.memory_space<hbm>>
        tpu.enqueue_dma source(%dma_start3A_26 : memref<32xi32, #tpu.memory_space<hbm>>) target(%arg8 : memref<32xi32, #tpu.memory_space<vmem>>) target_semaphore(%run_scoped3A : memref<!tpu.dma_semaphore, #tpu.memory_space<semaphore_mem>>)
        %dma_wait3A_27 = tpu.memref_slice %arg3[%add3A_14] : memref<4096xi32, #tpu.memory_space<hbm>> -> memref<32xi32, #tpu.memory_space<hbm>>
        %dma_wait3A_28 = tpu.memref_slice %arg3[%add3A_14] : memref<4096xi32, #tpu.memory_space<hbm>> -> memref<32xi32, #tpu.memory_space<hbm>>
        tpu.wait_dma2 semaphore(%run_scoped3A : memref<!tpu.dma_semaphore, #tpu.memory_space<semaphore_mem>>) src(%dma_wait3A_28 : memref<32xi32, #tpu.memory_space<hbm>>) dst(%arg8 : memref<32xi32, #tpu.memory_space<vmem>>)
        tpu.yield
      }) : () -> ()
      %dma_start3A = arith.constant 0 : i32
      %dma_start3A_15 = arith.constant 0 : i32
      %dma_start3A_16 = tpu.memref_slice %arg2[%dma_start3A, %dma_start3A_15] : memref<8960x1024xf32, #tpu.memory_space<hbm>> -> memref<8960x1024xf32, #tpu.memory_space<hbm>>
      tpu.enqueue_indirect_dma source(%dma_start3A_16 : memref<8960x1024xf32, #tpu.memory_space<hbm>>) target(%arg7 : memref<32x1024xf32, #tpu.memory_space<vmem>>) offsets(%arg8 : memref<32xi32, #tpu.memory_space<vmem>>) semaphore(%arg9 : memref<!tpu.dma_semaphore, #tpu.memory_space<semaphore_mem>>)
      %dma_wait3A = arith.constant 0 : i32
      %dma_wait3A_17 = arith.constant 0 : i32
      %dma_wait3A_18 = tpu.memref_slice %arg2[%dma_wait3A, %dma_wait3A_17] : memref<8960x1024xf32, #tpu.memory_space<hbm>> -> memref<8960x1024xf32, #tpu.memory_space<hbm>>
      tpu.wait_indirect_dma semaphore(%arg9 : memref<!tpu.dma_semaphore, #tpu.memory_space<semaphore_mem>>) src(%dma_wait3A_18 : memref<8960x1024xf32, #tpu.memory_space<hbm>>) dst(%arg7 : memref<32x1024xf32, #tpu.memory_space<vmem>>)
      "tpu.region"() ({
        %run_scoped3A = tpu.sem_alloc : memref<!tpu.dma_semaphore, #tpu.memory_space<semaphore_mem>>
        %dma_start3A_25 = arith.constant 0 : i32
        %dma_start3A_26 = tpu.memref_slice %arg5[%add3A_14, %dma_start3A_25] : memref<4096x1024xf32, #tpu.memory_space<hbm>> -> memref<32x1024xf32, #tpu.memory_space<hbm>>
        %dma_start3A_27 = arith.constant 0 : i32
        %dma_start3A_28 = tpu.memref_slice %arg5[%add3A_14, %dma_start3A_27] : memref<4096x1024xf32, #tpu.memory_space<hbm>> -> memref<32x1024xf32, #tpu.memory_space<hbm>>
        tpu.enqueue_dma source(%arg7 : memref<32x1024xf32, #tpu.memory_space<vmem>>) target(%dma_start3A_28 : memref<32x1024xf32, #tpu.memory_space<hbm>>) target_semaphore(%run_scoped3A : memref<!tpu.dma_semaphore, #tpu.memory_space<semaphore_mem>>)
        %dma_wait3A_29 = arith.constant 0 : i32
        %dma_wait3A_30 = tpu.memref_slice %arg5[%add3A_14, %dma_wait3A_29] : memref<4096x1024xf32, #tpu.memory_space<hbm>> -> memref<32x1024xf32, #tpu.memory_space<hbm>>
        %dma_wait3A_31 = arith.constant 0 : i32
        %dma_wait3A_32 = tpu.memref_slice %arg5[%add3A_14, %dma_wait3A_31] : memref<4096x1024xf32, #tpu.memory_space<hbm>> -> memref<32x1024xf32, #tpu.memory_space<hbm>>
        tpu.wait_dma2 semaphore(%run_scoped3A : memref<!tpu.dma_semaphore, #tpu.memory_space<semaphore_mem>>) src(%arg7 : memref<32x1024xf32, #tpu.memory_space<vmem>>) dst(%dma_wait3A_32 : memref<32x1024xf32, #tpu.memory_space<hbm>>)
        tpu.yield
      }) : () -> ()
      "tpu.region"() ({
        %run_scoped3A = tpu.sem_alloc : memref<!tpu.dma_semaphore, #tpu.memory_space<semaphore_mem>>
        %dma_start3A_25 = tpu.memref_slice %arg4[%add3A_14] : memref<4096xi32, #tpu.memory_space<hbm>> -> memref<32xi32, #tpu.memory_space<hbm>>
        %dma_start3A_26 = tpu.memref_slice %arg4[%add3A_14] : memref<4096xi32, #tpu.memory_space<hbm>> -> memref<32xi32, #tpu.memory_space<hbm>>
        tpu.enqueue_dma source(%dma_start3A_26 : memref<32xi32, #tpu.memory_space<hbm>>) target(%arg8 : memref<32xi32, #tpu.memory_space<vmem>>) target_semaphore(%run_scoped3A : memref<!tpu.dma_semaphore, #tpu.memory_space<semaphore_mem>>)
        %dma_wait3A_27 = tpu.memref_slice %arg4[%add3A_14] : memref<4096xi32, #tpu.memory_space<hbm>> -> memref<32xi32, #tpu.memory_space<hbm>>
        %dma_wait3A_28 = tpu.memref_slice %arg4[%add3A_14] : memref<4096xi32, #tpu.memory_space<hbm>> -> memref<32xi32, #tpu.memory_space<hbm>>
        tpu.wait_dma2 semaphore(%run_scoped3A : memref<!tpu.dma_semaphore, #tpu.memory_space<semaphore_mem>>) src(%dma_wait3A_28 : memref<32xi32, #tpu.memory_space<hbm>>) dst(%arg8 : memref<32xi32, #tpu.memory_space<vmem>>)
        tpu.yield
      }) : () -> ()
      %dma_start3A_19 = arith.constant 0 : i32
      %dma_start3A_20 = arith.constant 0 : i32
      %dma_start3A_21 = tpu.memref_slice %arg2[%dma_start3A_19, %dma_start3A_20] : memref<8960x1024xf32, #tpu.memory_space<hbm>> -> memref<8960x1024xf32, #tpu.memory_space<hbm>>
      tpu.enqueue_indirect_dma source(%dma_start3A_21 : memref<8960x1024xf32, #tpu.memory_space<hbm>>) target(%arg7 : memref<32x1024xf32, #tpu.memory_space<vmem>>) offsets(%arg8 : memref<32xi32, #tpu.memory_space<vmem>>) semaphore(%arg9 : memref<!tpu.dma_semaphore, #tpu.memory_space<semaphore_mem>>)
      %dma_wait3A_22 = arith.constant 0 : i32
      %dma_wait3A_23 = arith.constant 0 : i32
      %dma_wait3A_24 = tpu.memref_slice %arg2[%dma_wait3A_22, %dma_wait3A_23] : memref<8960x1024xf32, #tpu.memory_space<hbm>> -> memref<8960x1024xf32, #tpu.memory_space<hbm>>
      tpu.wait_indirect_dma semaphore(%arg9 : memref<!tpu.dma_semaphore, #tpu.memory_space<semaphore_mem>>) src(%dma_wait3A_24 : memref<8960x1024xf32, #tpu.memory_space<hbm>>) dst(%arg7 : memref<32x1024xf32, #tpu.memory_space<vmem>>)
      "tpu.region"() ({
        %run_scoped3A = tpu.sem_alloc : memref<!tpu.dma_semaphore, #tpu.memory_space<semaphore_mem>>
        %dma_start3A_25 = arith.constant 0 : i32
        %dma_start3A_26 = tpu.memref_slice %arg6[%add3A_14, %dma_start3A_25] : memref<4096x1024xf32, #tpu.memory_space<hbm>> -> memref<32x1024xf32, #tpu.memory_space<hbm>>
        %dma_start3A_27 = arith.constant 0 : i32
        %dma_start3A_28 = tpu.memref_slice %arg6[%add3A_14, %dma_start3A_27] : memref<4096x1024xf32, #tpu.memory_space<hbm>> -> memref<32x1024xf32, #tpu.memory_space<hbm>>
        tpu.enqueue_dma source(%arg7 : memref<32x1024xf32, #tpu.memory_space<vmem>>) target(%dma_start3A_28 : memref<32x1024xf32, #tpu.memory_space<hbm>>) target_semaphore(%run_scoped3A : memref<!tpu.dma_semaphore, #tpu.memory_space<semaphore_mem>>)
        %dma_wait3A_29 = arith.constant 0 : i32
        %dma_wait3A_30 = tpu.memref_slice %arg6[%add3A_14, %dma_wait3A_29] : memref<4096x1024xf32, #tpu.memory_space<hbm>> -> memref<32x1024xf32, #tpu.memory_space<hbm>>
        %dma_wait3A_31 = arith.constant 0 : i32
        %dma_wait3A_32 = tpu.memref_slice %arg6[%add3A_14, %dma_wait3A_31] : memref<4096x1024xf32, #tpu.memory_space<hbm>> -> memref<32x1024xf32, #tpu.memory_space<hbm>>
        tpu.wait_dma2 semaphore(%run_scoped3A : memref<!tpu.dma_semaphore, #tpu.memory_space<semaphore_mem>>) src(%arg7 : memref<32x1024xf32, #tpu.memory_space<vmem>>) dst(%dma_wait3A_32 : memref<32x1024xf32, #tpu.memory_space<hbm>>)
        tpu.yield
      }) : () -> ()
    }
    %scan3A_6 = arith.constant 4 : i32
    return
  }
}

module attributes {stable_mosaic.version = 14 : i64} {
  func.func @_ka(%arg0: memref<2x1024xf32, #tpu.memory_space<vmem>>, %arg1: memref<6144x1024xf32, #tpu.memory_space<vmem>>, %arg2: memref<1x6144xf32, #tpu.memory_space<vmem>>, %arg3: memref<2x6144xf32, #tpu.memory_space<vmem>>) attributes {dimension_semantics = [], scalar_prefetch = 0 : i64, scratch_operands = 0 : i64, tpu.core_type = #tpu.core_type<tc>} {
    %get3A = arith.constant 0 : index
    %get3A_0 = arith.constant 0 : index
    %get3A_1 = vector.load %arg0[%get3A, %get3A_0] : memref<2x1024xf32, #tpu.memory_space<vmem>>, vector<2x1024xf32>
    %logistic3A = arith.negf %get3A_1 : vector<2x1024xf32>
    %logistic3A_2 = math.exp %logistic3A : vector<2x1024xf32>
    %logistic3A_3 = arith.constant 1.000000e+00 : f32
    %logistic3A_4 = vector.broadcast %logistic3A_3 : f32 to vector<2x1024xf32>
    %logistic3A_5 = arith.addf %logistic3A_4, %logistic3A_2 : vector<2x1024xf32>
    %logistic3A_6 = arith.divf %logistic3A_4, %logistic3A_5 : vector<2x1024xf32>
    %mul3A = arith.mulf %get3A_1, %logistic3A_6 : vector<2x1024xf32>
    %get3A_7 = arith.constant 0 : index
    %get3A_8 = arith.constant 0 : index
    %get3A_9 = vector.load %arg1[%get3A_7, %get3A_8] : memref<6144x1024xf32, #tpu.memory_space<vmem>>, vector<6144x1024xf32>
    %dot_general3A = arith.constant dense<0.000000e+00> : vector<2x6144xf32>
    %dot_general3A_10 = tpu.matmul %mul3A, %get3A_9, %dot_general3A {dimension_numbers = #tpu.dot_dimension_numbers<[1], [1], [0], [0], [0, 0, 1, 0], [], []>, transpose_lhs_hint = false} : vector<2x1024xf32>, vector<6144x1024xf32>, vector<2x6144xf32> -> vector<2x6144xf32>
    %get3A_11 = arith.constant 0 : index
    %get3A_12 = arith.constant 0 : index
    %get3A_13 = vector.load %arg2[%get3A_11, %get3A_12] : memref<1x6144xf32, #tpu.memory_space<vmem>>, vector<1x6144xf32>
    %add3A = vector.broadcast %get3A_13 : vector<1x6144xf32> to vector<2x6144xf32>
    %add3A_14 = arith.addf %dot_general3A_10, %add3A : vector<2x6144xf32>
    %swap3A = arith.constant 0 : index
    %swap3A_15 = arith.constant 0 : index
    %swap3A_16 = vector.load %arg3[%swap3A, %swap3A_15] : memref<2x6144xf32, #tpu.memory_space<vmem>>, vector<2x6144xf32>
    tpu.vector_store %arg3[%swap3A, %swap3A_15], %add3A_14 {strides = array<i32>} : memref<2x6144xf32, #tpu.memory_space<vmem>>, vector<2x6144xf32>,
    return
  }
}

module attributes {stable_mosaic.version = 14 : i64} {
  func.func @_kb(%arg0: i32, %arg1: memref<512x1024xf32, #tpu.memory_space<vmem>>, %arg2: memref<2x6144xf32, #tpu.memory_space<vmem>>, %arg3: memref<1024x1024xbf16, #tpu.memory_space<vmem>>, %arg4: memref<1024x1024xbf16, #tpu.memory_space<vmem>>, %arg5: memref<1024x1024xbf16, #tpu.memory_space<vmem>>, %arg6: memref<1x1024xf32, #tpu.memory_space<vmem>>, %arg7: memref<1x1024xf32, #tpu.memory_space<vmem>>, %arg8: memref<1x1024xf32, #tpu.memory_space<vmem>>, %arg9: memref<1x1024xf32, #tpu.memory_space<vmem>>, %arg10: memref<1x1024xf32, #tpu.memory_space<vmem>>, %arg11: memref<512x1024xbf16, #tpu.memory_space<vmem>>, %arg12: memref<512x1024xbf16, #tpu.memory_space<vmem>>, %arg13: memref<512x1024xbf16, #tpu.memory_space<vmem>>) attributes {dimension_semantics = [#tpu.dimension_semantics<arbitrary>], iteration_bounds = array<i64: 8>, scalar_prefetch = 0 : i64, scratch_operands = 0 : i64, tpu.core_type = #tpu.core_type<tc>, window_params = [{transform_indices = @transform_0, window_bounds = array<i64: 512, 1024>}, {pipeline_mode = #tpu.pipeline_mode<synchronous>, transform_indices = @transform_1, window_bounds = array<i64: 2, 6144>}, {pipeline_mode = #tpu.pipeline_mode<synchronous>, transform_indices = @transform_2, window_bounds = array<i64: 1024, 1024>}, {pipeline_mode = #tpu.pipeline_mode<synchronous>, transform_indices = @transform_3, window_bounds = array<i64: 1024, 1024>}, {pipeline_mode = #tpu.pipeline_mode<synchronous>, transform_indices = @transform_4, window_bounds = array<i64: 1024, 1024>}, {pipeline_mode = #tpu.pipeline_mode<synchronous>, transform_indices = @transform_5, window_bounds = array<i64: 1, 1024>}, {pipeline_mode = #tpu.pipeline_mode<synchronous>, transform_indices = @transform_6, window_bounds = array<i64: 1, 1024>}, {pipeline_mode = #tpu.pipeline_mode<synchronous>, transform_indices = @transform_7, window_bounds = array<i64: 1, 1024>}, {pipeline_mode = #tpu.pipeline_mode<synchronous>, transform_indices = @transform_8, window_bounds = array<i64: 1, 1024>}, {pipeline_mode = #tpu.pipeline_mode<synchronous>, transform_indices = @transform_9, window_bounds = array<i64: 1, 1024>}, {transform_indices = @transform_10, window_bounds = array<i64: 512, 1024>}, {transform_indices = @transform_11, window_bounds = array<i64: 512, 1024>}, {transform_indices = @transform_12, window_bounds = array<i64: 512, 1024>}]} {
    %jit3A = arith.constant 4 : i32
    %div3A = arith.divsi %arg0, %jit3A : i32
    %sign3A = arith.constant 0 : i32
    %sign3A_0 = arith.cmpi sgt, %arg0, %sign3A : i32
    %sign3A_1 = arith.extui %sign3A_0 : i1 to i32
    %sign3A_2 = arith.constant 0 : i32
    %sign3A_3 = arith.cmpi slt, %arg0, %sign3A_2 : i32
    %sign3A_4 = arith.extui %sign3A_3 : i1 to i32
    %sign3A_5 = arith.subi %sign3A_1, %sign3A_4 : i32
    %sign3A_6 = arith.constant 0 : i32
    %sign3A_7 = arith.cmpi sgt, %jit3A, %sign3A_6 : i32
    %sign3A_8 = arith.extui %sign3A_7 : i1 to i32
    %sign3A_9 = arith.constant 0 : i32
    %sign3A_10 = arith.cmpi slt, %jit3A, %sign3A_9 : i32
    %sign3A_11 = arith.extui %sign3A_10 : i1 to i32
    %sign3A_12 = arith.subi %sign3A_8, %sign3A_11 : i32
    %ne3A = arith.cmpi ne, %sign3A_5, %sign3A_12 : i32
    %rem3A = arith.remsi %arg0, %jit3A : i32
    %ne3A_13 = arith.constant 0 : i32
    %ne3A_14 = arith.cmpi ne, %rem3A, %ne3A_13 : i32
    %and3A = arith.andi %ne3A, %ne3A_14 : i1
    %sub3A = arith.constant 1 : i32
    %sub3A_15 = arith.subi %div3A, %sub3A : i32
    %select_n3A = arith.select %and3A, %sub3A_15, %div3A : i32
    %get3A = arith.constant 0 : index
    %get3A_16 = arith.constant 0 : index
    %get3A_17 = vector.load %arg1[%get3A, %get3A_16] : memref<512x1024xf32, #tpu.memory_space<vmem>>, vector<512x1024xf32>
    %reduce_sum3A = arith.constant dense<0.000000e+00> : vector<512xf32>
    %reduce_sum3A_18 = vector.multi_reduction <add>, %get3A_17, %reduce_sum3A [1] : vector<512x1024xf32> to vector<512xf32>
    %broadcast_in_dim3A = vector.shape_cast %reduce_sum3A_18 : vector<512xf32> to vector<512x1xf32>
    %div3A_19 = arith.constant 1.024000e+03 : f32
    %div3A_20 = vector.broadcast %div3A_19 : f32 to vector<512x1xf32>
    %div3A_21 = arith.divf %broadcast_in_dim3A, %div3A_20 : vector<512x1xf32>
    %sub3A_22 = vector.broadcast %div3A_21 : vector<512x1xf32> to vector<512x1024xf32>
    %sub3A_23 = arith.subf %get3A_17, %sub3A_22 : vector<512x1024xf32>
    %sub3A_24 = vector.broadcast %div3A_21 : vector<512x1xf32> to vector<512x1024xf32>
    %sub3A_25 = arith.subf %get3A_17, %sub3A_24 : vector<512x1024xf32>
    %mul3A = arith.mulf %sub3A_23, %sub3A_25 : vector<512x1024xf32>
    %reduce_sum3A_26 = arith.constant dense<0.000000e+00> : vector<512xf32>
    %reduce_sum3A_27 = vector.multi_reduction <add>, %mul3A, %reduce_sum3A_26 [1] : vector<512x1024xf32> to vector<512xf32>
    %broadcast_in_dim3A_28 = vector.shape_cast %reduce_sum3A_27 : vector<512xf32> to vector<512x1xf32>
    %div3A_29 = arith.constant 1.024000e+03 : f32
    %div3A_30 = vector.broadcast %div3A_29 : f32 to vector<512x1xf32>
    %div3A_31 = arith.divf %broadcast_in_dim3A_28, %div3A_30 : vector<512x1xf32>
    %sub3A_32 = vector.broadcast %div3A_21 : vector<512x1xf32> to vector<512x1024xf32>
    %sub3A_33 = arith.subf %get3A_17, %sub3A_32 : vector<512x1024xf32>
    %add3A = arith.constant 9.99999997E-7 : f32
    %add3A_34 = vector.broadcast %add3A : f32 to vector<512x1xf32>
    %add3A_35 = arith.addf %div3A_31, %add3A_34 : vector<512x1xf32>
    %rsqrt3A = math.rsqrt %add3A_35 : vector<512x1xf32>
    %mul3A_36 = vector.broadcast %rsqrt3A : vector<512x1xf32> to vector<512x1024xf32>
    %mul3A_37 = arith.mulf %sub3A_33, %mul3A_36 : vector<512x1024xf32>
    %get3A_38 = arith.index_cast %select_n3A : i32 to index
    %get3A_39 = arith.constant 0 : index
    %get3A_40 = vector.load %arg2[%get3A_38, %get3A_39] : memref<2x6144xf32, #tpu.memory_space<vmem>>, vector<1x1024xf32>
    %get3A_41 = arith.index_cast %select_n3A : i32 to index
    %get3A_42 = arith.constant 1024 : index
    %get3A_43 = vector.load %arg2[%get3A_41, %get3A_42] : memref<2x6144xf32, #tpu.memory_space<vmem>>, vector<1x1024xf32>
    %add3A_44 = arith.constant 1.000000e+00 : f32
    %add3A_45 = vector.broadcast %add3A_44 : f32 to vector<1x1024xf32>
    %add3A_46 = arith.addf %add3A_45, %get3A_43 : vector<1x1024xf32>
    %mul3A_47 = vector.broadcast %add3A_46 : vector<1x1024xf32> to vector<512x1024xf32>
    %mul3A_48 = arith.mulf %mul3A_37, %mul3A_47 : vector<512x1024xf32>
    %add3A_49 = vector.broadcast %get3A_40 : vector<1x1024xf32> to vector<512x1024xf32>
    %add3A_50 = arith.addf %mul3A_48, %add3A_49 : vector<512x1024xf32>
    %convert_element_type3A = arith.truncf %add3A_50 : vector<512x1024xf32> to vector<512x1024xbf16>
    %get3A_51 = arith.constant 0 : index
    %get3A_52 = arith.constant 0 : index
    %get3A_53 = vector.load %arg3[%get3A_51, %get3A_52] : memref<1024x1024xbf16, #tpu.memory_space<vmem>>, vector<1024x1024xbf16>
    %dot_general3A = arith.constant dense<0.000000e+00> : vector<512x1024xf32>
    %dot_general3A_54 = tpu.matmul %convert_element_type3A, %get3A_53, %dot_general3A {dimension_numbers = #tpu.dot_dimension_numbers<[1], [1], [0], [0], [0, 0, 1, 0], [], []>, transpose_lhs_hint = false} : vector<512x1024xbf16>, vector<1024x1024xbf16>, vector<512x1024xf32> -> vector<512x1024xf32>
    %get3A_55 = arith.constant 0 : index
    %get3A_56 = arith.constant 0 : index
    %get3A_57 = vector.load %arg6[%get3A_55, %get3A_56] : memref<1x1024xf32, #tpu.memory_space<vmem>>, vector<1x1024xf32>
    %add3A_58 = vector.broadcast %get3A_57 : vector<1x1024xf32> to vector<512x1024xf32>
    %add3A_59 = arith.addf %dot_general3A_54, %add3A_58 : vector<512x1024xf32>
    %get3A_60 = arith.constant 0 : index
    %get3A_61 = arith.constant 0 : index
    %get3A_62 = vector.load %arg4[%get3A_60, %get3A_61] : memref<1024x1024xbf16, #tpu.memory_space<vmem>>, vector<1024x1024xbf16>
    %dot_general3A_63 = arith.constant dense<0.000000e+00> : vector<512x1024xf32>
    %dot_general3A_64 = tpu.matmul %convert_element_type3A, %get3A_62, %dot_general3A_63 {dimension_numbers = #tpu.dot_dimension_numbers<[1], [1], [0], [0], [0, 0, 1, 0], [], []>, transpose_lhs_hint = false} : vector<512x1024xbf16>, vector<1024x1024xbf16>, vector<512x1024xf32> -> vector<512x1024xf32>
    %get3A_65 = arith.constant 0 : index
    %get3A_66 = arith.constant 0 : index
    %get3A_67 = vector.load %arg7[%get3A_65, %get3A_66] : memref<1x1024xf32, #tpu.memory_space<vmem>>, vector<1x1024xf32>
    %add3A_68 = vector.broadcast %get3A_67 : vector<1x1024xf32> to vector<512x1024xf32>
    %add3A_69 = arith.addf %dot_general3A_64, %add3A_68 : vector<512x1024xf32>
    %get3A_70 = arith.constant 0 : index
    %get3A_71 = arith.constant 0 : index
    %get3A_72 = vector.load %arg5[%get3A_70, %get3A_71] : memref<1024x1024xbf16, #tpu.memory_space<vmem>>, vector<1024x1024xbf16>
    %dot_general3A_73 = arith.constant dense<0.000000e+00> : vector<512x1024xf32>
    %dot_general3A_74 = tpu.matmul %convert_element_type3A, %get3A_72, %dot_general3A_73 {dimension_numbers = #tpu.dot_dimension_numbers<[1], [1], [0], [0], [0, 0, 1, 0], [], []>, transpose_lhs_hint = false} : vector<512x1024xbf16>, vector<1024x1024xbf16>, vector<512x1024xf32> -> vector<512x1024xf32>
    %get3A_75 = arith.constant 0 : index
    %get3A_76 = arith.constant 0 : index
    %get3A_77 = vector.load %arg8[%get3A_75, %get3A_76] : memref<1x1024xf32, #tpu.memory_space<vmem>>, vector<1x1024xf32>
    %add3A_78 = vector.broadcast %get3A_77 : vector<1x1024xf32> to vector<512x1024xf32>
    %add3A_79 = arith.addf %dot_general3A_74, %add3A_78 : vector<512x1024xf32>
    %mul3A_80 = arith.mulf %add3A_59, %add3A_59 : vector<512x1024xf32>
    %reduce_sum3A_81 = arith.constant dense<0.000000e+00> : vector<512xf32>
    %reduce_sum3A_82 = vector.multi_reduction <add>, %mul3A_80, %reduce_sum3A_81 [1] : vector<512x1024xf32> to vector<512xf32>
    %broadcast_in_dim3A_83 = vector.shape_cast %reduce_sum3A_82 : vector<512xf32> to vector<512x1xf32>
    %div3A_84 = arith.constant 1.024000e+03 : f32
    %div3A_85 = vector.broadcast %div3A_84 : f32 to vector<512x1xf32>
    %div3A_86 = arith.divf %broadcast_in_dim3A_83, %div3A_85 : vector<512x1xf32>
    %add3A_87 = arith.constant 9.99999974E-6 : f32
    %add3A_88 = vector.broadcast %add3A_87 : f32 to vector<512x1xf32>
    %add3A_89 = arith.addf %div3A_86, %add3A_88 : vector<512x1xf32>
    %rsqrt3A_90 = math.rsqrt %add3A_89 : vector<512x1xf32>
    %mul3A_91 = vector.broadcast %rsqrt3A_90 : vector<512x1xf32> to vector<512x1024xf32>
    %mul3A_92 = arith.mulf %add3A_59, %mul3A_91 : vector<512x1024xf32>
    %get3A_93 = arith.constant 0 : index
    %get3A_94 = arith.constant 0 : index
    %get3A_95 = vector.load %arg9[%get3A_93, %get3A_94] : memref<1x1024xf32, #tpu.memory_space<vmem>>, vector<1x1024xf32>
    %mul3A_96 = vector.broadcast %get3A_95 : vector<1x1024xf32> to vector<512x1024xf32>
    %mul3A_97 = arith.mulf %mul3A_92, %mul3A_96 : vector<512x1024xf32>
    %mul3A_98 = arith.mulf %add3A_69, %add3A_69 : vector<512x1024xf32>
    %reduce_sum3A_99 = arith.constant dense<0.000000e+00> : vector<512xf32>
    %reduce_sum3A_100 = vector.multi_reduction <add>, %mul3A_98, %reduce_sum3A_99 [1] : vector<512x1024xf32> to vector<512xf32>
    %broadcast_in_dim3A_101 = vector.shape_cast %reduce_sum3A_100 : vector<512xf32> to vector<512x1xf32>
    %div3A_102 = arith.constant 1.024000e+03 : f32
    %div3A_103 = vector.broadcast %div3A_102 : f32 to vector<512x1xf32>
    %div3A_104 = arith.divf %broadcast_in_dim3A_101, %div3A_103 : vector<512x1xf32>
    %add3A_105 = arith.constant 9.99999974E-6 : f32
    %add3A_106 = vector.broadcast %add3A_105 : f32 to vector<512x1xf32>
    %add3A_107 = arith.addf %div3A_104, %add3A_106 : vector<512x1xf32>
    %rsqrt3A_108 = math.rsqrt %add3A_107 : vector<512x1xf32>
    %mul3A_109 = vector.broadcast %rsqrt3A_108 : vector<512x1xf32> to vector<512x1024xf32>
    %mul3A_110 = arith.mulf %add3A_69, %mul3A_109 : vector<512x1024xf32>
    %get3A_111 = arith.constant 0 : index
    %get3A_112 = arith.constant 0 : index
    %get3A_113 = vector.load %arg10[%get3A_111, %get3A_112] : memref<1x1024xf32, #tpu.memory_space<vmem>>, vector<1x1024xf32>
    %mul3A_114 = vector.broadcast %get3A_113 : vector<1x1024xf32> to vector<512x1024xf32>
    %mul3A_115 = arith.mulf %mul3A_110, %mul3A_114 : vector<512x1024xf32>
    %mul3A_116 = arith.constant 1.250000e-01 : f32
    %mul3A_117 = vector.broadcast %mul3A_116 : f32 to vector<512x1024xf32>
    %mul3A_118 = arith.mulf %mul3A_97, %mul3A_117 : vector<512x1024xf32>
    %convert_element_type3A_119 = arith.truncf %mul3A_118 : vector<512x1024xf32> to vector<512x1024xbf16>
    %swap3A = arith.constant 0 : index
    %swap3A_120 = arith.constant 0 : index
    %swap3A_121 = vector.load %arg11[%swap3A, %swap3A_120] : memref<512x1024xbf16, #tpu.memory_space<vmem>>, vector<512x1024xbf16>
    tpu.vector_store %arg11[%swap3A, %swap3A_120], %convert_element_type3A_119 {strides = array<i32>} : memref<512x1024xbf16, #tpu.memory_space<vmem>>, vector<512x1024xbf16>,
    %convert_element_type3A_122 = arith.truncf %mul3A_115 : vector<512x1024xf32> to vector<512x1024xbf16>
    %swap3A_123 = arith.constant 0 : index
    %swap3A_124 = arith.constant 0 : index
    %swap3A_125 = vector.load %arg12[%swap3A_123, %swap3A_124] : memref<512x1024xbf16, #tpu.memory_space<vmem>>, vector<512x1024xbf16>
    tpu.vector_store %arg12[%swap3A_123, %swap3A_124], %convert_element_type3A_122 {strides = array<i32>} : memref<512x1024xbf16, #tpu.memory_space<vmem>>, vector<512x1024xbf16>,
    %convert_element_type3A_126 = arith.truncf %add3A_79 : vector<512x1024xf32> to vector<512x1024xbf16>
    %swap3A_127 = arith.constant 0 : index
    %swap3A_128 = arith.constant 0 : index
    %swap3A_129 = vector.load %arg13[%swap3A_127, %swap3A_128] : memref<512x1024xbf16, #tpu.memory_space<vmem>>, vector<512x1024xbf16>
    tpu.vector_store %arg13[%swap3A_127, %swap3A_128], %convert_element_type3A_126 {strides = array<i32>} : memref<512x1024xbf16, #tpu.memory_space<vmem>>, vector<512x1024xbf16>,
    return
  }
  func.func @transform_0(%arg0: i32) -> (i32, i32) {
    %c0_i32 = arith.constant 0 : i32
    %c0_i32_0 = arith.constant 0 : i32
    return %arg0, %c0_i32 : i32, i32
  }
  func.func @transform_1(%arg0: i32) -> (i32, i32) {
    %c0_i32 = arith.constant 0 : i32
    %c0_i32_0 = arith.constant 0 : i32
    %c0_i32_1 = arith.constant 0 : i32
    return %c0_i32, %c0_i32_0 : i32, i32
  }
  func.func @transform_2(%arg0: i32) -> (i32, i32) {
    %c0_i32 = arith.constant 0 : i32
    %c0_i32_0 = arith.constant 0 : i32
    %c0_i32_1 = arith.constant 0 : i32
    return %c0_i32, %c0_i32_0 : i32, i32
  }
  func.func @transform_3(%arg0: i32) -> (i32, i32) {
    %c0_i32 = arith.constant 0 : i32
    %c0_i32_0 = arith.constant 0 : i32
    %c0_i32_1 = arith.constant 0 : i32
    return %c0_i32, %c0_i32_0 : i32, i32
  }
  func.func @transform_4(%arg0: i32) -> (i32, i32) {
    %c0_i32 = arith.constant 0 : i32
    %c0_i32_0 = arith.constant 0 : i32
    %c0_i32_1 = arith.constant 0 : i32
    return %c0_i32, %c0_i32_0 : i32, i32
  }
  func.func @transform_5(%arg0: i32) -> (i32, i32) {
    %c0_i32 = arith.constant 0 : i32
    %c0_i32_0 = arith.constant 0 : i32
    %c0_i32_1 = arith.constant 0 : i32
    return %c0_i32, %c0_i32_0 : i32, i32
  }
  func.func @transform_6(%arg0: i32) -> (i32, i32) {
    %c0_i32 = arith.constant 0 : i32
    %c0_i32_0 = arith.constant 0 : i32
    %c0_i32_1 = arith.constant 0 : i32
    return %c0_i32, %c0_i32_0 : i32, i32
  }
  func.func @transform_7(%arg0: i32) -> (i32, i32) {
    %c0_i32 = arith.constant 0 : i32
    %c0_i32_0 = arith.constant 0 : i32
    %c0_i32_1 = arith.constant 0 : i32
    return %c0_i32, %c0_i32_0 : i32, i32
  }
  func.func @transform_8(%arg0: i32) -> (i32, i32) {
    %c0_i32 = arith.constant 0 : i32
    %c0_i32_0 = arith.constant 0 : i32
    %c0_i32_1 = arith.constant 0 : i32
    return %c0_i32, %c0_i32_0 : i32, i32
  }
  func.func @transform_9(%arg0: i32) -> (i32, i32) {
    %c0_i32 = arith.constant 0 : i32
    %c0_i32_0 = arith.constant 0 : i32
    %c0_i32_1 = arith.constant 0 : i32
    return %c0_i32, %c0_i32_0 : i32, i32
  }
  func.func @transform_10(%arg0: i32) -> (i32, i32) {
    %c0_i32 = arith.constant 0 : i32
    %c0_i32_0 = arith.constant 0 : i32
    return %arg0, %c0_i32 : i32, i32
  }
  func.func @transform_11(%arg0: i32) -> (i32, i32) {
    %c0_i32 = arith.constant 0 : i32
    %c0_i32_0 = arith.constant 0 : i32
    return %arg0, %c0_i32 : i32, i32
  }
  func.func @transform_12(%arg0: i32) -> (i32, i32) {
    %c0_i32 = arith.constant 0 : i32
    %c0_i32_0 = arith.constant 0 : i32
    return %arg0, %c0_i32 : i32, i32
  }
}

module attributes {stable_mosaic.version = 14 : i64} {
  func.func @_kc(%arg0: i32, %arg1: i32, %arg2: memref<512x1024xbf16, #tpu.memory_space<vmem>>, %arg3: memref<2048x1024xbf16, #tpu.memory_space<vmem>>, %arg4: memref<2048x1024xbf16, #tpu.memory_space<vmem>>, %arg5: memref<512x1024xbf16, #tpu.memory_space<vmem>>) attributes {dimension_semantics = [#tpu.dimension_semantics<parallel>, #tpu.dimension_semantics<arbitrary>], iteration_bounds = array<i64: 2, 4>, scalar_prefetch = 0 : i64, scratch_operands = 0 : i64, tpu.core_type = #tpu.core_type<tc>, window_params = [{transform_indices = @transform_0, window_bounds = array<i64: 512, 1024>}, {transform_indices = @transform_1, window_bounds = array<i64: 2048, 1024>}, {transform_indices = @transform_2, window_bounds = array<i64: 2048, 1024>}, {transform_indices = @transform_3, window_bounds = array<i64: 512, 1024>}]} {
    %get3A = arith.constant 0 : index
    %get3A_0 = arith.constant 0 : index
    %get3A_1 = vector.load %arg2[%get3A, %get3A_0] : memref<512x1024xbf16, #tpu.memory_space<vmem>>, vector<512x64xbf16>
    %get3A_2 = arith.constant 0 : index
    %get3A_3 = arith.constant 0 : index
    %get3A_4 = vector.load %arg3[%get3A_2, %get3A_3] : memref<2048x1024xbf16, #tpu.memory_space<vmem>>, vector<2048x64xbf16>
    %get3A_5 = arith.constant 0 : index
    %get3A_6 = arith.constant 0 : index
    %get3A_7 = vector.load %arg4[%get3A_5, %get3A_6] : memref<2048x1024xbf16, #tpu.memory_space<vmem>>, vector<2048x64xbf16>
    %dot_general3A = arith.constant dense<0.000000e+00> : vector<512x2048xf32>
    %dot_general3A_8 = tpu.matmul %get3A_1, %get3A_4, %dot_general3A {dimension_numbers = #tpu.dot_dimension_numbers<[1], [1], [0], [0], [0, 0, 1, 0], [], []>, transpose_lhs_hint = false} : vector<512x64xbf16>, vector<2048x64xbf16>, vector<512x2048xf32> -> vector<512x2048xf32>
    %reduce_max3A = arith.constant dense<0xFF800000> : vector<512xf32>
    %reduce_max3A_9 = vector.multi_reduction <maximumf>, %dot_general3A_8, %reduce_max3A [1] : vector<512x2048xf32> to vector<512xf32>
    %broadcast_in_dim3A = vector.shape_cast %reduce_max3A_9 : vector<512xf32> to vector<512x1xf32>
    %sub3A = vector.broadcast %broadcast_in_dim3A : vector<512x1xf32> to vector<512x2048xf32>
    %sub3A_10 = arith.subf %dot_general3A_8, %sub3A : vector<512x2048xf32>
    %convert_element_type3A = arith.truncf %sub3A_10 : vector<512x2048xf32> to vector<512x2048xbf16>
    %exp3A = math.exp %convert_element_type3A : vector<512x2048xbf16>
    %convert_element_type3A_11 = arith.extf %exp3A : vector<512x2048xbf16> to vector<512x2048xf32>
    %reduce_sum3A = arith.constant dense<0.000000e+00> : vector<512xf32>
    %reduce_sum3A_12 = vector.multi_reduction <add>, %convert_element_type3A_11, %reduce_sum3A [1] : vector<512x2048xf32> to vector<512xf32>
    %broadcast_in_dim3A_13 = vector.shape_cast %reduce_sum3A_12 : vector<512xf32> to vector<512x1xf32>
    %div3A = arith.constant 1.000000e+00 : f32
    %div3A_14 = vector.broadcast %div3A : f32 to vector<512x1xf32>
    %div3A_15 = arith.divf %div3A_14, %broadcast_in_dim3A_13 : vector<512x1xf32>
    %convert_element_type3A_16 = arith.truncf %div3A_15 : vector<512x1xf32> to vector<512x1xbf16>
    %mul3A = vector.broadcast %convert_element_type3A_16 : vector<512x1xbf16> to vector<512x2048xbf16>
    %mul3A_17 = arith.mulf %exp3A, %mul3A : vector<512x2048xbf16>
    %dot_general3A_18 = arith.constant dense<0.000000e+00> : vector<512x64xf32>
    %dot_general3A_19 = tpu.matmul %mul3A_17, %get3A_7, %dot_general3A_18 {dimension_numbers = #tpu.dot_dimension_numbers<[1], [0], [0], [1], [0, 0, 1, 1], [], []>, transpose_lhs_hint = false} : vector<512x2048xbf16>, vector<2048x64xbf16>, vector<512x64xf32> -> vector<512x64xf32>
    %get3A_20 = arith.constant 0 : index
    %get3A_21 = arith.constant 64 : index
    %get3A_22 = vector.load %arg2[%get3A_20, %get3A_21] : memref<512x1024xbf16, #tpu.memory_space<vmem>>, vector<512x64xbf16>
    %get3A_23 = arith.constant 0 : index
    %get3A_24 = arith.constant 64 : index
    %get3A_25 = vector.load %arg3[%get3A_23, %get3A_24] : memref<2048x1024xbf16, #tpu.memory_space<vmem>>, vector<2048x64xbf16>
    %get3A_26 = arith.constant 0 : index
    %get3A_27 = arith.constant 64 : index
    %get3A_28 = vector.load %arg4[%get3A_26, %get3A_27] : memref<2048x1024xbf16, #tpu.memory_space<vmem>>, vector<2048x64xbf16>
    %dot_general3A_29 = arith.constant dense<0.000000e+00> : vector<512x2048xf32>
    %dot_general3A_30 = tpu.matmul %get3A_22, %get3A_25, %dot_general3A_29 {dimension_numbers = #tpu.dot_dimension_numbers<[1], [1], [0], [0], [0, 0, 1, 0], [], []>, transpose_lhs_hint = false} : vector<512x64xbf16>, vector<2048x64xbf16>, vector<512x2048xf32> -> vector<512x2048xf32>
    %reduce_max3A_31 = arith.constant dense<0xFF800000> : vector<512xf32>
    %reduce_max3A_32 = vector.multi_reduction <maximumf>, %dot_general3A_30, %reduce_max3A_31 [1] : vector<512x2048xf32> to vector<512xf32>
    %broadcast_in_dim3A_33 = vector.shape_cast %reduce_max3A_32 : vector<512xf32> to vector<512x1xf32>
    %sub3A_34 = vector.broadcast %broadcast_in_dim3A_33 : vector<512x1xf32> to vector<512x2048xf32>
    %sub3A_35 = arith.subf %dot_general3A_30, %sub3A_34 : vector<512x2048xf32>
    %convert_element_type3A_36 = arith.truncf %sub3A_35 : vector<512x2048xf32> to vector<512x2048xbf16>
    %exp3A_37 = math.exp %convert_element_type3A_36 : vector<512x2048xbf16>
    %convert_element_type3A_38 = arith.extf %exp3A_37 : vector<512x2048xbf16> to vector<512x2048xf32>
    %reduce_sum3A_39 = arith.constant dense<0.000000e+00> : vector<512xf32>
    %reduce_sum3A_40 = vector.multi_reduction <add>, %convert_element_type3A_38, %reduce_sum3A_39 [1] : vector<512x2048xf32> to vector<512xf32>
    %broadcast_in_dim3A_41 = vector.shape_cast %reduce_sum3A_40 : vector<512xf32> to vector<512x1xf32>
    %div3A_42 = arith.constant 1.000000e+00 : f32
    %div3A_43 = vector.broadcast %div3A_42 : f32 to vector<512x1xf32>
    %div3A_44 = arith.divf %div3A_43, %broadcast_in_dim3A_41 : vector<512x1xf32>
    %convert_element_type3A_45 = arith.truncf %div3A_44 : vector<512x1xf32> to vector<512x1xbf16>
    %mul3A_46 = vector.broadcast %convert_element_type3A_45 : vector<512x1xbf16> to vector<512x2048xbf16>
    %mul3A_47 = arith.mulf %exp3A_37, %mul3A_46 : vector<512x2048xbf16>
    %dot_general3A_48 = arith.constant dense<0.000000e+00> : vector<512x64xf32>
    %dot_general3A_49 = tpu.matmul %mul3A_47, %get3A_28, %dot_general3A_48 {dimension_numbers = #tpu.dot_dimension_numbers<[1], [0], [0], [1], [0, 0, 1, 1], [], []>, transpose_lhs_hint = false} : vector<512x2048xbf16>, vector<2048x64xbf16>, vector<512x64xf32> -> vector<512x64xf32>
    %get3A_50 = arith.constant 0 : index
    %get3A_51 = arith.constant 128 : index
    %get3A_52 = vector.load %arg2[%get3A_50, %get3A_51] : memref<512x1024xbf16, #tpu.memory_space<vmem>>, vector<512x64xbf16>
    %get3A_53 = arith.constant 0 : index
    %get3A_54 = arith.constant 128 : index
    %get3A_55 = vector.load %arg3[%get3A_53, %get3A_54] : memref<2048x1024xbf16, #tpu.memory_space<vmem>>, vector<2048x64xbf16>
    %get3A_56 = arith.constant 0 : index
    %get3A_57 = arith.constant 128 : index
    %get3A_58 = vector.load %arg4[%get3A_56, %get3A_57] : memref<2048x1024xbf16, #tpu.memory_space<vmem>>, vector<2048x64xbf16>
    %dot_general3A_59 = arith.constant dense<0.000000e+00> : vector<512x2048xf32>
    %dot_general3A_60 = tpu.matmul %get3A_52, %get3A_55, %dot_general3A_59 {dimension_numbers = #tpu.dot_dimension_numbers<[1], [1], [0], [0], [0, 0, 1, 0], [], []>, transpose_lhs_hint = false} : vector<512x64xbf16>, vector<2048x64xbf16>, vector<512x2048xf32> -> vector<512x2048xf32>
    %reduce_max3A_61 = arith.constant dense<0xFF800000> : vector<512xf32>
    %reduce_max3A_62 = vector.multi_reduction <maximumf>, %dot_general3A_60, %reduce_max3A_61 [1] : vector<512x2048xf32> to vector<512xf32>
    %broadcast_in_dim3A_63 = vector.shape_cast %reduce_max3A_62 : vector<512xf32> to vector<512x1xf32>
    %sub3A_64 = vector.broadcast %broadcast_in_dim3A_63 : vector<512x1xf32> to vector<512x2048xf32>
    %sub3A_65 = arith.subf %dot_general3A_60, %sub3A_64 : vector<512x2048xf32>
    %convert_element_type3A_66 = arith.truncf %sub3A_65 : vector<512x2048xf32> to vector<512x2048xbf16>
    %exp3A_67 = math.exp %convert_element_type3A_66 : vector<512x2048xbf16>
    %convert_element_type3A_68 = arith.extf %exp3A_67 : vector<512x2048xbf16> to vector<512x2048xf32>
    %reduce_sum3A_69 = arith.constant dense<0.000000e+00> : vector<512xf32>
    %reduce_sum3A_70 = vector.multi_reduction <add>, %convert_element_type3A_68, %reduce_sum3A_69 [1] : vector<512x2048xf32> to vector<512xf32>
    %broadcast_in_dim3A_71 = vector.shape_cast %reduce_sum3A_70 : vector<512xf32> to vector<512x1xf32>
    %div3A_72 = arith.constant 1.000000e+00 : f32
    %div3A_73 = vector.broadcast %div3A_72 : f32 to vector<512x1xf32>
    %div3A_74 = arith.divf %div3A_73, %broadcast_in_dim3A_71 : vector<512x1xf32>
    %convert_element_type3A_75 = arith.truncf %div3A_74 : vector<512x1xf32> to vector<512x1xbf16>
    %mul3A_76 = vector.broadcast %convert_element_type3A_75 : vector<512x1xbf16> to vector<512x2048xbf16>
    %mul3A_77 = arith.mulf %exp3A_67, %mul3A_76 : vector<512x2048xbf16>
    %dot_general3A_78 = arith.constant dense<0.000000e+00> : vector<512x64xf32>
    %dot_general3A_79 = tpu.matmul %mul3A_77, %get3A_58, %dot_general3A_78 {dimension_numbers = #tpu.dot_dimension_numbers<[1], [0], [0], [1], [0, 0, 1, 1], [], []>, transpose_lhs_hint = false} : vector<512x2048xbf16>, vector<2048x64xbf16>, vector<512x64xf32> -> vector<512x64xf32>
    %get3A_80 = arith.constant 0 : index
    %get3A_81 = arith.constant 192 : index
    %get3A_82 = vector.load %arg2[%get3A_80, %get3A_81] : memref<512x1024xbf16, #tpu.memory_space<vmem>>, vector<512x64xbf16>
    %get3A_83 = arith.constant 0 : index
    %get3A_84 = arith.constant 192 : index
    %get3A_85 = vector.load %arg3[%get3A_83, %get3A_84] : memref<2048x1024xbf16, #tpu.memory_space<vmem>>, vector<2048x64xbf16>
    %get3A_86 = arith.constant 0 : index
    %get3A_87 = arith.constant 192 : index
    %get3A_88 = vector.load %arg4[%get3A_86, %get3A_87] : memref<2048x1024xbf16, #tpu.memory_space<vmem>>, vector<2048x64xbf16>
    %dot_general3A_89 = arith.constant dense<0.000000e+00> : vector<512x2048xf32>
    %dot_general3A_90 = tpu.matmul %get3A_82, %get3A_85, %dot_general3A_89 {dimension_numbers = #tpu.dot_dimension_numbers<[1], [1], [0], [0], [0, 0, 1, 0], [], []>, transpose_lhs_hint = false} : vector<512x64xbf16>, vector<2048x64xbf16>, vector<512x2048xf32> -> vector<512x2048xf32>
    %reduce_max3A_91 = arith.constant dense<0xFF800000> : vector<512xf32>
    %reduce_max3A_92 = vector.multi_reduction <maximumf>, %dot_general3A_90, %reduce_max3A_91 [1] : vector<512x2048xf32> to vector<512xf32>
    %broadcast_in_dim3A_93 = vector.shape_cast %reduce_max3A_92 : vector<512xf32> to vector<512x1xf32>
    %sub3A_94 = vector.broadcast %broadcast_in_dim3A_93 : vector<512x1xf32> to vector<512x2048xf32>
    %sub3A_95 = arith.subf %dot_general3A_90, %sub3A_94 : vector<512x2048xf32>
    %convert_element_type3A_96 = arith.truncf %sub3A_95 : vector<512x2048xf32> to vector<512x2048xbf16>
    %exp3A_97 = math.exp %convert_element_type3A_96 : vector<512x2048xbf16>
    %convert_element_type3A_98 = arith.extf %exp3A_97 : vector<512x2048xbf16> to vector<512x2048xf32>
    %reduce_sum3A_99 = arith.constant dense<0.000000e+00> : vector<512xf32>
    %reduce_sum3A_100 = vector.multi_reduction <add>, %convert_element_type3A_98, %reduce_sum3A_99 [1] : vector<512x2048xf32> to vector<512xf32>
    %broadcast_in_dim3A_101 = vector.shape_cast %reduce_sum3A_100 : vector<512xf32> to vector<512x1xf32>
    %div3A_102 = arith.constant 1.000000e+00 : f32
    %div3A_103 = vector.broadcast %div3A_102 : f32 to vector<512x1xf32>
    %div3A_104 = arith.divf %div3A_103, %broadcast_in_dim3A_101 : vector<512x1xf32>
    %convert_element_type3A_105 = arith.truncf %div3A_104 : vector<512x1xf32> to vector<512x1xbf16>
    %mul3A_106 = vector.broadcast %convert_element_type3A_105 : vector<512x1xbf16> to vector<512x2048xbf16>
    %mul3A_107 = arith.mulf %exp3A_97, %mul3A_106 : vector<512x2048xbf16>
    %dot_general3A_108 = arith.constant dense<0.000000e+00> : vector<512x64xf32>
    %dot_general3A_109 = tpu.matmul %mul3A_107, %get3A_88, %dot_general3A_108 {dimension_numbers = #tpu.dot_dimension_numbers<[1], [0], [0], [1], [0, 0, 1, 1], [], []>, transpose_lhs_hint = false} : vector<512x2048xbf16>, vector<2048x64xbf16>, vector<512x64xf32> -> vector<512x64xf32>
    %get3A_110 = arith.constant 0 : index
    %get3A_111 = arith.constant 256 : index
    %get3A_112 = vector.load %arg2[%get3A_110, %get3A_111] : memref<512x1024xbf16, #tpu.memory_space<vmem>>, vector<512x64xbf16>
    %get3A_113 = arith.constant 0 : index
    %get3A_114 = arith.constant 256 : index
    %get3A_115 = vector.load %arg3[%get3A_113, %get3A_114] : memref<2048x1024xbf16, #tpu.memory_space<vmem>>, vector<2048x64xbf16>
    %get3A_116 = arith.constant 0 : index
    %get3A_117 = arith.constant 256 : index
    %get3A_118 = vector.load %arg4[%get3A_116, %get3A_117] : memref<2048x1024xbf16, #tpu.memory_space<vmem>>, vector<2048x64xbf16>
    %dot_general3A_119 = arith.constant dense<0.000000e+00> : vector<512x2048xf32>
    %dot_general3A_120 = tpu.matmul %get3A_112, %get3A_115, %dot_general3A_119 {dimension_numbers = #tpu.dot_dimension_numbers<[1], [1], [0], [0], [0, 0, 1, 0], [], []>, transpose_lhs_hint = false} : vector<512x64xbf16>, vector<2048x64xbf16>, vector<512x2048xf32> -> vector<512x2048xf32>
    %reduce_max3A_121 = arith.constant dense<0xFF800000> : vector<512xf32>
    %reduce_max3A_122 = vector.multi_reduction <maximumf>, %dot_general3A_120, %reduce_max3A_121 [1] : vector<512x2048xf32> to vector<512xf32>
    %broadcast_in_dim3A_123 = vector.shape_cast %reduce_max3A_122 : vector<512xf32> to vector<512x1xf32>
    %sub3A_124 = vector.broadcast %broadcast_in_dim3A_123 : vector<512x1xf32> to vector<512x2048xf32>
    %sub3A_125 = arith.subf %dot_general3A_120, %sub3A_124 : vector<512x2048xf32>
    %convert_element_type3A_126 = arith.truncf %sub3A_125 : vector<512x2048xf32> to vector<512x2048xbf16>
    %exp3A_127 = math.exp %convert_element_type3A_126 : vector<512x2048xbf16>
    %convert_element_type3A_128 = arith.extf %exp3A_127 : vector<512x2048xbf16> to vector<512x2048xf32>
    %reduce_sum3A_129 = arith.constant dense<0.000000e+00> : vector<512xf32>
    %reduce_sum3A_130 = vector.multi_reduction <add>, %convert_element_type3A_128, %reduce_sum3A_129 [1] : vector<512x2048xf32> to vector<512xf32>
    %broadcast_in_dim3A_131 = vector.shape_cast %reduce_sum3A_130 : vector<512xf32> to vector<512x1xf32>
    %div3A_132 = arith.constant 1.000000e+00 : f32
    %div3A_133 = vector.broadcast %div3A_132 : f32 to vector<512x1xf32>
    %div3A_134 = arith.divf %div3A_133, %broadcast_in_dim3A_131 : vector<512x1xf32>
    %convert_element_type3A_135 = arith.truncf %div3A_134 : vector<512x1xf32> to vector<512x1xbf16>
    %mul3A_136 = vector.broadcast %convert_element_type3A_135 : vector<512x1xbf16> to vector<512x2048xbf16>
    %mul3A_137 = arith.mulf %exp3A_127, %mul3A_136 : vector<512x2048xbf16>
    %dot_general3A_138 = arith.constant dense<0.000000e+00> : vector<512x64xf32>
    %dot_general3A_139 = tpu.matmul %mul3A_137, %get3A_118, %dot_general3A_138 {dimension_numbers = #tpu.dot_dimension_numbers<[1], [0], [0], [1], [0, 0, 1, 1], [], []>, transpose_lhs_hint = false} : vector<512x2048xbf16>, vector<2048x64xbf16>, vector<512x64xf32> -> vector<512x64xf32>
    %get3A_140 = arith.constant 0 : index
    %get3A_141 = arith.constant 320 : index
    %get3A_142 = vector.load %arg2[%get3A_140, %get3A_141] : memref<512x1024xbf16, #tpu.memory_space<vmem>>, vector<512x64xbf16>
    %get3A_143 = arith.constant 0 : index
    %get3A_144 = arith.constant 320 : index
    %get3A_145 = vector.load %arg3[%get3A_143, %get3A_144] : memref<2048x1024xbf16, #tpu.memory_space<vmem>>, vector<2048x64xbf16>
    %get3A_146 = arith.constant 0 : index
    %get3A_147 = arith.constant 320 : index
    %get3A_148 = vector.load %arg4[%get3A_146, %get3A_147] : memref<2048x1024xbf16, #tpu.memory_space<vmem>>, vector<2048x64xbf16>
    %dot_general3A_149 = arith.constant dense<0.000000e+00> : vector<512x2048xf32>
    %dot_general3A_150 = tpu.matmul %get3A_142, %get3A_145, %dot_general3A_149 {dimension_numbers = #tpu.dot_dimension_numbers<[1], [1], [0], [0], [0, 0, 1, 0], [], []>, transpose_lhs_hint = false} : vector<512x64xbf16>, vector<2048x64xbf16>, vector<512x2048xf32> -> vector<512x2048xf32>
    %reduce_max3A_151 = arith.constant dense<0xFF800000> : vector<512xf32>
    %reduce_max3A_152 = vector.multi_reduction <maximumf>, %dot_general3A_150, %reduce_max3A_151 [1] : vector<512x2048xf32> to vector<512xf32>
    %broadcast_in_dim3A_153 = vector.shape_cast %reduce_max3A_152 : vector<512xf32> to vector<512x1xf32>
    %sub3A_154 = vector.broadcast %broadcast_in_dim3A_153 : vector<512x1xf32> to vector<512x2048xf32>
    %sub3A_155 = arith.subf %dot_general3A_150, %sub3A_154 : vector<512x2048xf32>
    %convert_element_type3A_156 = arith.truncf %sub3A_155 : vector<512x2048xf32> to vector<512x2048xbf16>
    %exp3A_157 = math.exp %convert_element_type3A_156 : vector<512x2048xbf16>
    %convert_element_type3A_158 = arith.extf %exp3A_157 : vector<512x2048xbf16> to vector<512x2048xf32>
    %reduce_sum3A_159 = arith.constant dense<0.000000e+00> : vector<512xf32>
    %reduce_sum3A_160 = vector.multi_reduction <add>, %convert_element_type3A_158, %reduce_sum3A_159 [1] : vector<512x2048xf32> to vector<512xf32>
    %broadcast_in_dim3A_161 = vector.shape_cast %reduce_sum3A_160 : vector<512xf32> to vector<512x1xf32>
    %div3A_162 = arith.constant 1.000000e+00 : f32
    %div3A_163 = vector.broadcast %div3A_162 : f32 to vector<512x1xf32>
    %div3A_164 = arith.divf %div3A_163, %broadcast_in_dim3A_161 : vector<512x1xf32>
    %convert_element_type3A_165 = arith.truncf %div3A_164 : vector<512x1xf32> to vector<512x1xbf16>
    %mul3A_166 = vector.broadcast %convert_element_type3A_165 : vector<512x1xbf16> to vector<512x2048xbf16>
    %mul3A_167 = arith.mulf %exp3A_157, %mul3A_166 : vector<512x2048xbf16>
    %dot_general3A_168 = arith.constant dense<0.000000e+00> : vector<512x64xf32>
    %dot_general3A_169 = tpu.matmul %mul3A_167, %get3A_148, %dot_general3A_168 {dimension_numbers = #tpu.dot_dimension_numbers<[1], [0], [0], [1], [0, 0, 1, 1], [], []>, transpose_lhs_hint = false} : vector<512x2048xbf16>, vector<2048x64xbf16>, vector<512x64xf32> -> vector<512x64xf32>
    %get3A_170 = arith.constant 0 : index
    %get3A_171 = arith.constant 384 : index
    %get3A_172 = vector.load %arg2[%get3A_170, %get3A_171] : memref<512x1024xbf16, #tpu.memory_space<vmem>>, vector<512x64xbf16>
    %get3A_173 = arith.constant 0 : index
    %get3A_174 = arith.constant 384 : index
    %get3A_175 = vector.load %arg3[%get3A_173, %get3A_174] : memref<2048x1024xbf16, #tpu.memory_space<vmem>>, vector<2048x64xbf16>
    %get3A_176 = arith.constant 0 : index
    %get3A_177 = arith.constant 384 : index
    %get3A_178 = vector.load %arg4[%get3A_176, %get3A_177] : memref<2048x1024xbf16, #tpu.memory_space<vmem>>, vector<2048x64xbf16>
    %dot_general3A_179 = arith.constant dense<0.000000e+00> : vector<512x2048xf32>
    %dot_general3A_180 = tpu.matmul %get3A_172, %get3A_175, %dot_general3A_179 {dimension_numbers = #tpu.dot_dimension_numbers<[1], [1], [0], [0], [0, 0, 1, 0], [], []>, transpose_lhs_hint = false} : vector<512x64xbf16>, vector<2048x64xbf16>, vector<512x2048xf32> -> vector<512x2048xf32>
    %reduce_max3A_181 = arith.constant dense<0xFF800000> : vector<512xf32>
    %reduce_max3A_182 = vector.multi_reduction <maximumf>, %dot_general3A_180, %reduce_max3A_181 [1] : vector<512x2048xf32> to vector<512xf32>
    %broadcast_in_dim3A_183 = vector.shape_cast %reduce_max3A_182 : vector<512xf32> to vector<512x1xf32>
    %sub3A_184 = vector.broadcast %broadcast_in_dim3A_183 : vector<512x1xf32> to vector<512x2048xf32>
    %sub3A_185 = arith.subf %dot_general3A_180, %sub3A_184 : vector<512x2048xf32>
    %convert_element_type3A_186 = arith.truncf %sub3A_185 : vector<512x2048xf32> to vector<512x2048xbf16>
    %exp3A_187 = math.exp %convert_element_type3A_186 : vector<512x2048xbf16>
    %convert_element_type3A_188 = arith.extf %exp3A_187 : vector<512x2048xbf16> to vector<512x2048xf32>
    %reduce_sum3A_189 = arith.constant dense<0.000000e+00> : vector<512xf32>
    %reduce_sum3A_190 = vector.multi_reduction <add>, %convert_element_type3A_188, %reduce_sum3A_189 [1] : vector<512x2048xf32> to vector<512xf32>
    %broadcast_in_dim3A_191 = vector.shape_cast %reduce_sum3A_190 : vector<512xf32> to vector<512x1xf32>
    %div3A_192 = arith.constant 1.000000e+00 : f32
    %div3A_193 = vector.broadcast %div3A_192 : f32 to vector<512x1xf32>
    %div3A_194 = arith.divf %div3A_193, %broadcast_in_dim3A_191 : vector<512x1xf32>
    %convert_element_type3A_195 = arith.truncf %div3A_194 : vector<512x1xf32> to vector<512x1xbf16>
    %mul3A_196 = vector.broadcast %convert_element_type3A_195 : vector<512x1xbf16> to vector<512x2048xbf16>
    %mul3A_197 = arith.mulf %exp3A_187, %mul3A_196 : vector<512x2048xbf16>
    %dot_general3A_198 = arith.constant dense<0.000000e+00> : vector<512x64xf32>
    %dot_general3A_199 = tpu.matmul %mul3A_197, %get3A_178, %dot_general3A_198 {dimension_numbers = #tpu.dot_dimension_numbers<[1], [0], [0], [1], [0, 0, 1, 1], [], []>, transpose_lhs_hint = false} : vector<512x2048xbf16>, vector<2048x64xbf16>, vector<512x64xf32> -> vector<512x64xf32>
    %get3A_200 = arith.constant 0 : index
    %get3A_201 = arith.constant 448 : index
    %get3A_202 = vector.load %arg2[%get3A_200, %get3A_201] : memref<512x1024xbf16, #tpu.memory_space<vmem>>, vector<512x64xbf16>
    %get3A_203 = arith.constant 0 : index
    %get3A_204 = arith.constant 448 : index
    %get3A_205 = vector.load %arg3[%get3A_203, %get3A_204] : memref<2048x1024xbf16, #tpu.memory_space<vmem>>, vector<2048x64xbf16>
    %get3A_206 = arith.constant 0 : index
    %get3A_207 = arith.constant 448 : index
    %get3A_208 = vector.load %arg4[%get3A_206, %get3A_207] : memref<2048x1024xbf16, #tpu.memory_space<vmem>>, vector<2048x64xbf16>
    %dot_general3A_209 = arith.constant dense<0.000000e+00> : vector<512x2048xf32>
    %dot_general3A_210 = tpu.matmul %get3A_202, %get3A_205, %dot_general3A_209 {dimension_numbers = #tpu.dot_dimension_numbers<[1], [1], [0], [0], [0, 0, 1, 0], [], []>, transpose_lhs_hint = false} : vector<512x64xbf16>, vector<2048x64xbf16>, vector<512x2048xf32> -> vector<512x2048xf32>
    %reduce_max3A_211 = arith.constant dense<0xFF800000> : vector<512xf32>
    %reduce_max3A_212 = vector.multi_reduction <maximumf>, %dot_general3A_210, %reduce_max3A_211 [1] : vector<512x2048xf32> to vector<512xf32>
    %broadcast_in_dim3A_213 = vector.shape_cast %reduce_max3A_212 : vector<512xf32> to vector<512x1xf32>
    %sub3A_214 = vector.broadcast %broadcast_in_dim3A_213 : vector<512x1xf32> to vector<512x2048xf32>
    %sub3A_215 = arith.subf %dot_general3A_210, %sub3A_214 : vector<512x2048xf32>
    %convert_element_type3A_216 = arith.truncf %sub3A_215 : vector<512x2048xf32> to vector<512x2048xbf16>
    %exp3A_217 = math.exp %convert_element_type3A_216 : vector<512x2048xbf16>
    %convert_element_type3A_218 = arith.extf %exp3A_217 : vector<512x2048xbf16> to vector<512x2048xf32>
    %reduce_sum3A_219 = arith.constant dense<0.000000e+00> : vector<512xf32>
    %reduce_sum3A_220 = vector.multi_reduction <add>, %convert_element_type3A_218, %reduce_sum3A_219 [1] : vector<512x2048xf32> to vector<512xf32>
    %broadcast_in_dim3A_221 = vector.shape_cast %reduce_sum3A_220 : vector<512xf32> to vector<512x1xf32>
    %div3A_222 = arith.constant 1.000000e+00 : f32
    %div3A_223 = vector.broadcast %div3A_222 : f32 to vector<512x1xf32>
    %div3A_224 = arith.divf %div3A_223, %broadcast_in_dim3A_221 : vector<512x1xf32>
    %convert_element_type3A_225 = arith.truncf %div3A_224 : vector<512x1xf32> to vector<512x1xbf16>
    %mul3A_226 = vector.broadcast %convert_element_type3A_225 : vector<512x1xbf16> to vector<512x2048xbf16>
    %mul3A_227 = arith.mulf %exp3A_217, %mul3A_226 : vector<512x2048xbf16>
    %dot_general3A_228 = arith.constant dense<0.000000e+00> : vector<512x64xf32>
    %dot_general3A_229 = tpu.matmul %mul3A_227, %get3A_208, %dot_general3A_228 {dimension_numbers = #tpu.dot_dimension_numbers<[1], [0], [0], [1], [0, 0, 1, 1], [], []>, transpose_lhs_hint = false} : vector<512x2048xbf16>, vector<2048x64xbf16>, vector<512x64xf32> -> vector<512x64xf32>
    %get3A_230 = arith.constant 0 : index
    %get3A_231 = arith.constant 512 : index
    %get3A_232 = vector.load %arg2[%get3A_230, %get3A_231] : memref<512x1024xbf16, #tpu.memory_space<vmem>>, vector<512x64xbf16>
    %get3A_233 = arith.constant 0 : index
    %get3A_234 = arith.constant 512 : index
    %get3A_235 = vector.load %arg3[%get3A_233, %get3A_234] : memref<2048x1024xbf16, #tpu.memory_space<vmem>>, vector<2048x64xbf16>
    %get3A_236 = arith.constant 0 : index
    %get3A_237 = arith.constant 512 : index
    %get3A_238 = vector.load %arg4[%get3A_236, %get3A_237] : memref<2048x1024xbf16, #tpu.memory_space<vmem>>, vector<2048x64xbf16>
    %dot_general3A_239 = arith.constant dense<0.000000e+00> : vector<512x2048xf32>
    %dot_general3A_240 = tpu.matmul %get3A_232, %get3A_235, %dot_general3A_239 {dimension_numbers = #tpu.dot_dimension_numbers<[1], [1], [0], [0], [0, 0, 1, 0], [], []>, transpose_lhs_hint = false} : vector<512x64xbf16>, vector<2048x64xbf16>, vector<512x2048xf32> -> vector<512x2048xf32>
    %reduce_max3A_241 = arith.constant dense<0xFF800000> : vector<512xf32>
    %reduce_max3A_242 = vector.multi_reduction <maximumf>, %dot_general3A_240, %reduce_max3A_241 [1] : vector<512x2048xf32> to vector<512xf32>
    %broadcast_in_dim3A_243 = vector.shape_cast %reduce_max3A_242 : vector<512xf32> to vector<512x1xf32>
    %sub3A_244 = vector.broadcast %broadcast_in_dim3A_243 : vector<512x1xf32> to vector<512x2048xf32>
    %sub3A_245 = arith.subf %dot_general3A_240, %sub3A_244 : vector<512x2048xf32>
    %convert_element_type3A_246 = arith.truncf %sub3A_245 : vector<512x2048xf32> to vector<512x2048xbf16>
    %exp3A_247 = math.exp %convert_element_type3A_246 : vector<512x2048xbf16>
    %convert_element_type3A_248 = arith.extf %exp3A_247 : vector<512x2048xbf16> to vector<512x2048xf32>
    %reduce_sum3A_249 = arith.constant dense<0.000000e+00> : vector<512xf32>
    %reduce_sum3A_250 = vector.multi_reduction <add>, %convert_element_type3A_248, %reduce_sum3A_249 [1] : vector<512x2048xf32> to vector<512xf32>
    %broadcast_in_dim3A_251 = vector.shape_cast %reduce_sum3A_250 : vector<512xf32> to vector<512x1xf32>
    %div3A_252 = arith.constant 1.000000e+00 : f32
    %div3A_253 = vector.broadcast %div3A_252 : f32 to vector<512x1xf32>
    %div3A_254 = arith.divf %div3A_253, %broadcast_in_dim3A_251 : vector<512x1xf32>
    %convert_element_type3A_255 = arith.truncf %div3A_254 : vector<512x1xf32> to vector<512x1xbf16>
    %mul3A_256 = vector.broadcast %convert_element_type3A_255 : vector<512x1xbf16> to vector<512x2048xbf16>
    %mul3A_257 = arith.mulf %exp3A_247, %mul3A_256 : vector<512x2048xbf16>
    %dot_general3A_258 = arith.constant dense<0.000000e+00> : vector<512x64xf32>
    %dot_general3A_259 = tpu.matmul %mul3A_257, %get3A_238, %dot_general3A_258 {dimension_numbers = #tpu.dot_dimension_numbers<[1], [0], [0], [1], [0, 0, 1, 1], [], []>, transpose_lhs_hint = false} : vector<512x2048xbf16>, vector<2048x64xbf16>, vector<512x64xf32> -> vector<512x64xf32>
    %get3A_260 = arith.constant 0 : index
    %get3A_261 = arith.constant 576 : index
    %get3A_262 = vector.load %arg2[%get3A_260, %get3A_261] : memref<512x1024xbf16, #tpu.memory_space<vmem>>, vector<512x64xbf16>
    %get3A_263 = arith.constant 0 : index
    %get3A_264 = arith.constant 576 : index
    %get3A_265 = vector.load %arg3[%get3A_263, %get3A_264] : memref<2048x1024xbf16, #tpu.memory_space<vmem>>, vector<2048x64xbf16>
    %get3A_266 = arith.constant 0 : index
    %get3A_267 = arith.constant 576 : index
    %get3A_268 = vector.load %arg4[%get3A_266, %get3A_267] : memref<2048x1024xbf16, #tpu.memory_space<vmem>>, vector<2048x64xbf16>
    %dot_general3A_269 = arith.constant dense<0.000000e+00> : vector<512x2048xf32>
    %dot_general3A_270 = tpu.matmul %get3A_262, %get3A_265, %dot_general3A_269 {dimension_numbers = #tpu.dot_dimension_numbers<[1], [1], [0], [0], [0, 0, 1, 0], [], []>, transpose_lhs_hint = false} : vector<512x64xbf16>, vector<2048x64xbf16>, vector<512x2048xf32> -> vector<512x2048xf32>
    %reduce_max3A_271 = arith.constant dense<0xFF800000> : vector<512xf32>
    %reduce_max3A_272 = vector.multi_reduction <maximumf>, %dot_general3A_270, %reduce_max3A_271 [1] : vector<512x2048xf32> to vector<512xf32>
    %broadcast_in_dim3A_273 = vector.shape_cast %reduce_max3A_272 : vector<512xf32> to vector<512x1xf32>
    %sub3A_274 = vector.broadcast %broadcast_in_dim3A_273 : vector<512x1xf32> to vector<512x2048xf32>
    %sub3A_275 = arith.subf %dot_general3A_270, %sub3A_274 : vector<512x2048xf32>
    %convert_element_type3A_276 = arith.truncf %sub3A_275 : vector<512x2048xf32> to vector<512x2048xbf16>
    %exp3A_277 = math.exp %convert_element_type3A_276 : vector<512x2048xbf16>
    %convert_element_type3A_278 = arith.extf %exp3A_277 : vector<512x2048xbf16> to vector<512x2048xf32>
    %reduce_sum3A_279 = arith.constant dense<0.000000e+00> : vector<512xf32>
    %reduce_sum3A_280 = vector.multi_reduction <add>, %convert_element_type3A_278, %reduce_sum3A_279 [1] : vector<512x2048xf32> to vector<512xf32>
    %broadcast_in_dim3A_281 = vector.shape_cast %reduce_sum3A_280 : vector<512xf32> to vector<512x1xf32>
    %div3A_282 = arith.constant 1.000000e+00 : f32
    %div3A_283 = vector.broadcast %div3A_282 : f32 to vector<512x1xf32>
    %div3A_284 = arith.divf %div3A_283, %broadcast_in_dim3A_281 : vector<512x1xf32>
    %convert_element_type3A_285 = arith.truncf %div3A_284 : vector<512x1xf32> to vector<512x1xbf16>
    %mul3A_286 = vector.broadcast %convert_element_type3A_285 : vector<512x1xbf16> to vector<512x2048xbf16>
    %mul3A_287 = arith.mulf %exp3A_277, %mul3A_286 : vector<512x2048xbf16>
    %dot_general3A_288 = arith.constant dense<0.000000e+00> : vector<512x64xf32>
    %dot_general3A_289 = tpu.matmul %mul3A_287, %get3A_268, %dot_general3A_288 {dimension_numbers = #tpu.dot_dimension_numbers<[1], [0], [0], [1], [0, 0, 1, 1], [], []>, transpose_lhs_hint = false} : vector<512x2048xbf16>, vector<2048x64xbf16>, vector<512x64xf32> -> vector<512x64xf32>
    %get3A_290 = arith.constant 0 : index
    %get3A_291 = arith.constant 640 : index
    %get3A_292 = vector.load %arg2[%get3A_290, %get3A_291] : memref<512x1024xbf16, #tpu.memory_space<vmem>>, vector<512x64xbf16>
    %get3A_293 = arith.constant 0 : index
    %get3A_294 = arith.constant 640 : index
    %get3A_295 = vector.load %arg3[%get3A_293, %get3A_294] : memref<2048x1024xbf16, #tpu.memory_space<vmem>>, vector<2048x64xbf16>
    %get3A_296 = arith.constant 0 : index
    %get3A_297 = arith.constant 640 : index
    %get3A_298 = vector.load %arg4[%get3A_296, %get3A_297] : memref<2048x1024xbf16, #tpu.memory_space<vmem>>, vector<2048x64xbf16>
    %dot_general3A_299 = arith.constant dense<0.000000e+00> : vector<512x2048xf32>
    %dot_general3A_300 = tpu.matmul %get3A_292, %get3A_295, %dot_general3A_299 {dimension_numbers = #tpu.dot_dimension_numbers<[1], [1], [0], [0], [0, 0, 1, 0], [], []>, transpose_lhs_hint = false} : vector<512x64xbf16>, vector<2048x64xbf16>, vector<512x2048xf32> -> vector<512x2048xf32>
    %reduce_max3A_301 = arith.constant dense<0xFF800000> : vector<512xf32>
    %reduce_max3A_302 = vector.multi_reduction <maximumf>, %dot_general3A_300, %reduce_max3A_301 [1] : vector<512x2048xf32> to vector<512xf32>
    %broadcast_in_dim3A_303 = vector.shape_cast %reduce_max3A_302 : vector<512xf32> to vector<512x1xf32>
    %sub3A_304 = vector.broadcast %broadcast_in_dim3A_303 : vector<512x1xf32> to vector<512x2048xf32>
    %sub3A_305 = arith.subf %dot_general3A_300, %sub3A_304 : vector<512x2048xf32>
    %convert_element_type3A_306 = arith.truncf %sub3A_305 : vector<512x2048xf32> to vector<512x2048xbf16>
    %exp3A_307 = math.exp %convert_element_type3A_306 : vector<512x2048xbf16>
    %convert_element_type3A_308 = arith.extf %exp3A_307 : vector<512x2048xbf16> to vector<512x2048xf32>
    %reduce_sum3A_309 = arith.constant dense<0.000000e+00> : vector<512xf32>
    %reduce_sum3A_310 = vector.multi_reduction <add>, %convert_element_type3A_308, %reduce_sum3A_309 [1] : vector<512x2048xf32> to vector<512xf32>
    %broadcast_in_dim3A_311 = vector.shape_cast %reduce_sum3A_310 : vector<512xf32> to vector<512x1xf32>
    %div3A_312 = arith.constant 1.000000e+00 : f32
    %div3A_313 = vector.broadcast %div3A_312 : f32 to vector<512x1xf32>
    %div3A_314 = arith.divf %div3A_313, %broadcast_in_dim3A_311 : vector<512x1xf32>
    %convert_element_type3A_315 = arith.truncf %div3A_314 : vector<512x1xf32> to vector<512x1xbf16>
    %mul3A_316 = vector.broadcast %convert_element_type3A_315 : vector<512x1xbf16> to vector<512x2048xbf16>
    %mul3A_317 = arith.mulf %exp3A_307, %mul3A_316 : vector<512x2048xbf16>
    %dot_general3A_318 = arith.constant dense<0.000000e+00> : vector<512x64xf32>
    %dot_general3A_319 = tpu.matmul %mul3A_317, %get3A_298, %dot_general3A_318 {dimension_numbers = #tpu.dot_dimension_numbers<[1], [0], [0], [1], [0, 0, 1, 1], [], []>, transpose_lhs_hint = false} : vector<512x2048xbf16>, vector<2048x64xbf16>, vector<512x64xf32> -> vector<512x64xf32>
    %get3A_320 = arith.constant 0 : index
    %get3A_321 = arith.constant 704 : index
    %get3A_322 = vector.load %arg2[%get3A_320, %get3A_321] : memref<512x1024xbf16, #tpu.memory_space<vmem>>, vector<512x64xbf16>
    %get3A_323 = arith.constant 0 : index
    %get3A_324 = arith.constant 704 : index
    %get3A_325 = vector.load %arg3[%get3A_323, %get3A_324] : memref<2048x1024xbf16, #tpu.memory_space<vmem>>, vector<2048x64xbf16>
    %get3A_326 = arith.constant 0 : index
    %get3A_327 = arith.constant 704 : index
    %get3A_328 = vector.load %arg4[%get3A_326, %get3A_327] : memref<2048x1024xbf16, #tpu.memory_space<vmem>>, vector<2048x64xbf16>
    %dot_general3A_329 = arith.constant dense<0.000000e+00> : vector<512x2048xf32>
    %dot_general3A_330 = tpu.matmul %get3A_322, %get3A_325, %dot_general3A_329 {dimension_numbers = #tpu.dot_dimension_numbers<[1], [1], [0], [0], [0, 0, 1, 0], [], []>, transpose_lhs_hint = false} : vector<512x64xbf16>, vector<2048x64xbf16>, vector<512x2048xf32> -> vector<512x2048xf32>
    %reduce_max3A_331 = arith.constant dense<0xFF800000> : vector<512xf32>
    %reduce_max3A_332 = vector.multi_reduction <maximumf>, %dot_general3A_330, %reduce_max3A_331 [1] : vector<512x2048xf32> to vector<512xf32>
    %broadcast_in_dim3A_333 = vector.shape_cast %reduce_max3A_332 : vector<512xf32> to vector<512x1xf32>
    %sub3A_334 = vector.broadcast %broadcast_in_dim3A_333 : vector<512x1xf32> to vector<512x2048xf32>
    %sub3A_335 = arith.subf %dot_general3A_330, %sub3A_334 : vector<512x2048xf32>
    %convert_element_type3A_336 = arith.truncf %sub3A_335 : vector<512x2048xf32> to vector<512x2048xbf16>
    %exp3A_337 = math.exp %convert_element_type3A_336 : vector<512x2048xbf16>
    %convert_element_type3A_338 = arith.extf %exp3A_337 : vector<512x2048xbf16> to vector<512x2048xf32>
    %reduce_sum3A_339 = arith.constant dense<0.000000e+00> : vector<512xf32>
    %reduce_sum3A_340 = vector.multi_reduction <add>, %convert_element_type3A_338, %reduce_sum3A_339 [1] : vector<512x2048xf32> to vector<512xf32>
    %broadcast_in_dim3A_341 = vector.shape_cast %reduce_sum3A_340 : vector<512xf32> to vector<512x1xf32>
    %div3A_342 = arith.constant 1.000000e+00 : f32
    %div3A_343 = vector.broadcast %div3A_342 : f32 to vector<512x1xf32>
    %div3A_344 = arith.divf %div3A_343, %broadcast_in_dim3A_341 : vector<512x1xf32>
    %convert_element_type3A_345 = arith.truncf %div3A_344 : vector<512x1xf32> to vector<512x1xbf16>
    %mul3A_346 = vector.broadcast %convert_element_type3A_345 : vector<512x1xbf16> to vector<512x2048xbf16>
    %mul3A_347 = arith.mulf %exp3A_337, %mul3A_346 : vector<512x2048xbf16>
    %dot_general3A_348 = arith.constant dense<0.000000e+00> : vector<512x64xf32>
    %dot_general3A_349 = tpu.matmul %mul3A_347, %get3A_328, %dot_general3A_348 {dimension_numbers = #tpu.dot_dimension_numbers<[1], [0], [0], [1], [0, 0, 1, 1], [], []>, transpose_lhs_hint = false} : vector<512x2048xbf16>, vector<2048x64xbf16>, vector<512x64xf32> -> vector<512x64xf32>
    %get3A_350 = arith.constant 0 : index
    %get3A_351 = arith.constant 768 : index
    %get3A_352 = vector.load %arg2[%get3A_350, %get3A_351] : memref<512x1024xbf16, #tpu.memory_space<vmem>>, vector<512x64xbf16>
    %get3A_353 = arith.constant 0 : index
    %get3A_354 = arith.constant 768 : index
    %get3A_355 = vector.load %arg3[%get3A_353, %get3A_354] : memref<2048x1024xbf16, #tpu.memory_space<vmem>>, vector<2048x64xbf16>
    %get3A_356 = arith.constant 0 : index
    %get3A_357 = arith.constant 768 : index
    %get3A_358 = vector.load %arg4[%get3A_356, %get3A_357] : memref<2048x1024xbf16, #tpu.memory_space<vmem>>, vector<2048x64xbf16>
    %dot_general3A_359 = arith.constant dense<0.000000e+00> : vector<512x2048xf32>
    %dot_general3A_360 = tpu.matmul %get3A_352, %get3A_355, %dot_general3A_359 {dimension_numbers = #tpu.dot_dimension_numbers<[1], [1], [0], [0], [0, 0, 1, 0], [], []>, transpose_lhs_hint = false} : vector<512x64xbf16>, vector<2048x64xbf16>, vector<512x2048xf32> -> vector<512x2048xf32>
    %reduce_max3A_361 = arith.constant dense<0xFF800000> : vector<512xf32>
    %reduce_max3A_362 = vector.multi_reduction <maximumf>, %dot_general3A_360, %reduce_max3A_361 [1] : vector<512x2048xf32> to vector<512xf32>
    %broadcast_in_dim3A_363 = vector.shape_cast %reduce_max3A_362 : vector<512xf32> to vector<512x1xf32>
    %sub3A_364 = vector.broadcast %broadcast_in_dim3A_363 : vector<512x1xf32> to vector<512x2048xf32>
    %sub3A_365 = arith.subf %dot_general3A_360, %sub3A_364 : vector<512x2048xf32>
    %convert_element_type3A_366 = arith.truncf %sub3A_365 : vector<512x2048xf32> to vector<512x2048xbf16>
    %exp3A_367 = math.exp %convert_element_type3A_366 : vector<512x2048xbf16>
    %convert_element_type3A_368 = arith.extf %exp3A_367 : vector<512x2048xbf16> to vector<512x2048xf32>
    %reduce_sum3A_369 = arith.constant dense<0.000000e+00> : vector<512xf32>
    %reduce_sum3A_370 = vector.multi_reduction <add>, %convert_element_type3A_368, %reduce_sum3A_369 [1] : vector<512x2048xf32> to vector<512xf32>
    %broadcast_in_dim3A_371 = vector.shape_cast %reduce_sum3A_370 : vector<512xf32> to vector<512x1xf32>
    %div3A_372 = arith.constant 1.000000e+00 : f32
    %div3A_373 = vector.broadcast %div3A_372 : f32 to vector<512x1xf32>
    %div3A_374 = arith.divf %div3A_373, %broadcast_in_dim3A_371 : vector<512x1xf32>
    %convert_element_type3A_375 = arith.truncf %div3A_374 : vector<512x1xf32> to vector<512x1xbf16>
    %mul3A_376 = vector.broadcast %convert_element_type3A_375 : vector<512x1xbf16> to vector<512x2048xbf16>
    %mul3A_377 = arith.mulf %exp3A_367, %mul3A_376 : vector<512x2048xbf16>
    %dot_general3A_378 = arith.constant dense<0.000000e+00> : vector<512x64xf32>
    %dot_general3A_379 = tpu.matmul %mul3A_377, %get3A_358, %dot_general3A_378 {dimension_numbers = #tpu.dot_dimension_numbers<[1], [0], [0], [1], [0, 0, 1, 1], [], []>, transpose_lhs_hint = false} : vector<512x2048xbf16>, vector<2048x64xbf16>, vector<512x64xf32> -> vector<512x64xf32>
    %get3A_380 = arith.constant 0 : index
    %get3A_381 = arith.constant 832 : index
    %get3A_382 = vector.load %arg2[%get3A_380, %get3A_381] : memref<512x1024xbf16, #tpu.memory_space<vmem>>, vector<512x64xbf16>
    %get3A_383 = arith.constant 0 : index
    %get3A_384 = arith.constant 832 : index
    %get3A_385 = vector.load %arg3[%get3A_383, %get3A_384] : memref<2048x1024xbf16, #tpu.memory_space<vmem>>, vector<2048x64xbf16>
    %get3A_386 = arith.constant 0 : index
    %get3A_387 = arith.constant 832 : index
    %get3A_388 = vector.load %arg4[%get3A_386, %get3A_387] : memref<2048x1024xbf16, #tpu.memory_space<vmem>>, vector<2048x64xbf16>
    %dot_general3A_389 = arith.constant dense<0.000000e+00> : vector<512x2048xf32>
    %dot_general3A_390 = tpu.matmul %get3A_382, %get3A_385, %dot_general3A_389 {dimension_numbers = #tpu.dot_dimension_numbers<[1], [1], [0], [0], [0, 0, 1, 0], [], []>, transpose_lhs_hint = false} : vector<512x64xbf16>, vector<2048x64xbf16>, vector<512x2048xf32> -> vector<512x2048xf32>
    %reduce_max3A_391 = arith.constant dense<0xFF800000> : vector<512xf32>
    %reduce_max3A_392 = vector.multi_reduction <maximumf>, %dot_general3A_390, %reduce_max3A_391 [1] : vector<512x2048xf32> to vector<512xf32>
    %broadcast_in_dim3A_393 = vector.shape_cast %reduce_max3A_392 : vector<512xf32> to vector<512x1xf32>
    %sub3A_394 = vector.broadcast %broadcast_in_dim3A_393 : vector<512x1xf32> to vector<512x2048xf32>
    %sub3A_395 = arith.subf %dot_general3A_390, %sub3A_394 : vector<512x2048xf32>
    %convert_element_type3A_396 = arith.truncf %sub3A_395 : vector<512x2048xf32> to vector<512x2048xbf16>
    %exp3A_397 = math.exp %convert_element_type3A_396 : vector<512x2048xbf16>
    %convert_element_type3A_398 = arith.extf %exp3A_397 : vector<512x2048xbf16> to vector<512x2048xf32>
    %reduce_sum3A_399 = arith.constant dense<0.000000e+00> : vector<512xf32>
    %reduce_sum3A_400 = vector.multi_reduction <add>, %convert_element_type3A_398, %reduce_sum3A_399 [1] : vector<512x2048xf32> to vector<512xf32>
    %broadcast_in_dim3A_401 = vector.shape_cast %reduce_sum3A_400 : vector<512xf32> to vector<512x1xf32>
    %div3A_402 = arith.constant 1.000000e+00 : f32
    %div3A_403 = vector.broadcast %div3A_402 : f32 to vector<512x1xf32>
    %div3A_404 = arith.divf %div3A_403, %broadcast_in_dim3A_401 : vector<512x1xf32>
    %convert_element_type3A_405 = arith.truncf %div3A_404 : vector<512x1xf32> to vector<512x1xbf16>
    %mul3A_406 = vector.broadcast %convert_element_type3A_405 : vector<512x1xbf16> to vector<512x2048xbf16>
    %mul3A_407 = arith.mulf %exp3A_397, %mul3A_406 : vector<512x2048xbf16>
    %dot_general3A_408 = arith.constant dense<0.000000e+00> : vector<512x64xf32>
    %dot_general3A_409 = tpu.matmul %mul3A_407, %get3A_388, %dot_general3A_408 {dimension_numbers = #tpu.dot_dimension_numbers<[1], [0], [0], [1], [0, 0, 1, 1], [], []>, transpose_lhs_hint = false} : vector<512x2048xbf16>, vector<2048x64xbf16>, vector<512x64xf32> -> vector<512x64xf32>
    %get3A_410 = arith.constant 0 : index
    %get3A_411 = arith.constant 896 : index
    %get3A_412 = vector.load %arg2[%get3A_410, %get3A_411] : memref<512x1024xbf16, #tpu.memory_space<vmem>>, vector<512x64xbf16>
    %get3A_413 = arith.constant 0 : index
    %get3A_414 = arith.constant 896 : index
    %get3A_415 = vector.load %arg3[%get3A_413, %get3A_414] : memref<2048x1024xbf16, #tpu.memory_space<vmem>>, vector<2048x64xbf16>
    %get3A_416 = arith.constant 0 : index
    %get3A_417 = arith.constant 896 : index
    %get3A_418 = vector.load %arg4[%get3A_416, %get3A_417] : memref<2048x1024xbf16, #tpu.memory_space<vmem>>, vector<2048x64xbf16>
    %dot_general3A_419 = arith.constant dense<0.000000e+00> : vector<512x2048xf32>
    %dot_general3A_420 = tpu.matmul %get3A_412, %get3A_415, %dot_general3A_419 {dimension_numbers = #tpu.dot_dimension_numbers<[1], [1], [0], [0], [0, 0, 1, 0], [], []>, transpose_lhs_hint = false} : vector<512x64xbf16>, vector<2048x64xbf16>, vector<512x2048xf32> -> vector<512x2048xf32>
    %reduce_max3A_421 = arith.constant dense<0xFF800000> : vector<512xf32>
    %reduce_max3A_422 = vector.multi_reduction <maximumf>, %dot_general3A_420, %reduce_max3A_421 [1] : vector<512x2048xf32> to vector<512xf32>
    %broadcast_in_dim3A_423 = vector.shape_cast %reduce_max3A_422 : vector<512xf32> to vector<512x1xf32>
    %sub3A_424 = vector.broadcast %broadcast_in_dim3A_423 : vector<512x1xf32> to vector<512x2048xf32>
    %sub3A_425 = arith.subf %dot_general3A_420, %sub3A_424 : vector<512x2048xf32>
    %convert_element_type3A_426 = arith.truncf %sub3A_425 : vector<512x2048xf32> to vector<512x2048xbf16>
    %exp3A_427 = math.exp %convert_element_type3A_426 : vector<512x2048xbf16>
    %convert_element_type3A_428 = arith.extf %exp3A_427 : vector<512x2048xbf16> to vector<512x2048xf32>
    %reduce_sum3A_429 = arith.constant dense<0.000000e+00> : vector<512xf32>
    %reduce_sum3A_430 = vector.multi_reduction <add>, %convert_element_type3A_428, %reduce_sum3A_429 [1] : vector<512x2048xf32> to vector<512xf32>
    %broadcast_in_dim3A_431 = vector.shape_cast %reduce_sum3A_430 : vector<512xf32> to vector<512x1xf32>
    %div3A_432 = arith.constant 1.000000e+00 : f32
    %div3A_433 = vector.broadcast %div3A_432 : f32 to vector<512x1xf32>
    %div3A_434 = arith.divf %div3A_433, %broadcast_in_dim3A_431 : vector<512x1xf32>
    %convert_element_type3A_435 = arith.truncf %div3A_434 : vector<512x1xf32> to vector<512x1xbf16>
    %mul3A_436 = vector.broadcast %convert_element_type3A_435 : vector<512x1xbf16> to vector<512x2048xbf16>
    %mul3A_437 = arith.mulf %exp3A_427, %mul3A_436 : vector<512x2048xbf16>
    %dot_general3A_438 = arith.constant dense<0.000000e+00> : vector<512x64xf32>
    %dot_general3A_439 = tpu.matmul %mul3A_437, %get3A_418, %dot_general3A_438 {dimension_numbers = #tpu.dot_dimension_numbers<[1], [0], [0], [1], [0, 0, 1, 1], [], []>, transpose_lhs_hint = false} : vector<512x2048xbf16>, vector<2048x64xbf16>, vector<512x64xf32> -> vector<512x64xf32>
    %get3A_440 = arith.constant 0 : index
    %get3A_441 = arith.constant 960 : index
    %get3A_442 = vector.load %arg2[%get3A_440, %get3A_441] : memref<512x1024xbf16, #tpu.memory_space<vmem>>, vector<512x64xbf16>
    %get3A_443 = arith.constant 0 : index
    %get3A_444 = arith.constant 960 : index
    %get3A_445 = vector.load %arg3[%get3A_443, %get3A_444] : memref<2048x1024xbf16, #tpu.memory_space<vmem>>, vector<2048x64xbf16>
    %get3A_446 = arith.constant 0 : index
    %get3A_447 = arith.constant 960 : index
    %get3A_448 = vector.load %arg4[%get3A_446, %get3A_447] : memref<2048x1024xbf16, #tpu.memory_space<vmem>>, vector<2048x64xbf16>
    %dot_general3A_449 = arith.constant dense<0.000000e+00> : vector<512x2048xf32>
    %dot_general3A_450 = tpu.matmul %get3A_442, %get3A_445, %dot_general3A_449 {dimension_numbers = #tpu.dot_dimension_numbers<[1], [1], [0], [0], [0, 0, 1, 0], [], []>, transpose_lhs_hint = false} : vector<512x64xbf16>, vector<2048x64xbf16>, vector<512x2048xf32> -> vector<512x2048xf32>
    %reduce_max3A_451 = arith.constant dense<0xFF800000> : vector<512xf32>
    %reduce_max3A_452 = vector.multi_reduction <maximumf>, %dot_general3A_450, %reduce_max3A_451 [1] : vector<512x2048xf32> to vector<512xf32>
    %broadcast_in_dim3A_453 = vector.shape_cast %reduce_max3A_452 : vector<512xf32> to vector<512x1xf32>
    %sub3A_454 = vector.broadcast %broadcast_in_dim3A_453 : vector<512x1xf32> to vector<512x2048xf32>
    %sub3A_455 = arith.subf %dot_general3A_450, %sub3A_454 : vector<512x2048xf32>
    %convert_element_type3A_456 = arith.truncf %sub3A_455 : vector<512x2048xf32> to vector<512x2048xbf16>
    %exp3A_457 = math.exp %convert_element_type3A_456 : vector<512x2048xbf16>
    %convert_element_type3A_458 = arith.extf %exp3A_457 : vector<512x2048xbf16> to vector<512x2048xf32>
    %reduce_sum3A_459 = arith.constant dense<0.000000e+00> : vector<512xf32>
    %reduce_sum3A_460 = vector.multi_reduction <add>, %convert_element_type3A_458, %reduce_sum3A_459 [1] : vector<512x2048xf32> to vector<512xf32>
    %broadcast_in_dim3A_461 = vector.shape_cast %reduce_sum3A_460 : vector<512xf32> to vector<512x1xf32>
    %div3A_462 = arith.constant 1.000000e+00 : f32
    %div3A_463 = vector.broadcast %div3A_462 : f32 to vector<512x1xf32>
    %div3A_464 = arith.divf %div3A_463, %broadcast_in_dim3A_461 : vector<512x1xf32>
    %convert_element_type3A_465 = arith.truncf %div3A_464 : vector<512x1xf32> to vector<512x1xbf16>
    %mul3A_466 = vector.broadcast %convert_element_type3A_465 : vector<512x1xbf16> to vector<512x2048xbf16>
    %mul3A_467 = arith.mulf %exp3A_457, %mul3A_466 : vector<512x2048xbf16>
    %dot_general3A_468 = arith.constant dense<0.000000e+00> : vector<512x64xf32>
    %dot_general3A_469 = tpu.matmul %mul3A_467, %get3A_448, %dot_general3A_468 {dimension_numbers = #tpu.dot_dimension_numbers<[1], [0], [0], [1], [0, 0, 1, 1], [], []>, transpose_lhs_hint = false} : vector<512x2048xbf16>, vector<2048x64xbf16>, vector<512x64xf32> -> vector<512x64xf32>
    %concatenate3A = tpu.concatenate %dot_general3A_19, %dot_general3A_49, %dot_general3A_79, %dot_general3A_109, %dot_general3A_139, %dot_general3A_169, %dot_general3A_199, %dot_general3A_229, %dot_general3A_259, %dot_general3A_289, %dot_general3A_319, %dot_general3A_349, %dot_general3A_379, %dot_general3A_409, %dot_general3A_439, %dot_general3A_469 in 1 : vector<512x64xf32>, vector<512x64xf32>, vector<512x64xf32>, vector<512x64xf32>, vector<512x64xf32>, vector<512x64xf32>, vector<512x64xf32>, vector<512x64xf32>, vector<512x64xf32>, vector<512x64xf32>, vector<512x64xf32>, vector<512x64xf32>, vector<512x64xf32>, vector<512x64xf32>, vector<512x64xf32>, vector<512x64xf32> -> vector<512x1024xf32>
    %convert_element_type3A_470 = arith.truncf %concatenate3A : vector<512x1024xf32> to vector<512x1024xbf16>
    %swap3A = arith.constant 0 : index
    %swap3A_471 = arith.constant 0 : index
    %swap3A_472 = vector.load %arg5[%swap3A, %swap3A_471] : memref<512x1024xbf16, #tpu.memory_space<vmem>>, vector<512x1024xbf16>
    tpu.vector_store %arg5[%swap3A, %swap3A_471], %convert_element_type3A_470 {strides = array<i32>} : memref<512x1024xbf16, #tpu.memory_space<vmem>>, vector<512x1024xbf16>,
    return
  }
  func.func @transform_0(%arg0: i32, %arg1: i32) -> (i32, i32) {
    %mul3A = arith.constant 4 : i32
    %mul3A_0 = arith.muli %arg0, %mul3A : i32
    %add3A = arith.addi %mul3A_0, %arg1 : i32
    %c0_i32 = arith.constant 0 : i32
    %c0_i32_1 = arith.constant 0 : i32
    return %add3A, %c0_i32 : i32, i32
  }
  func.func @transform_1(%arg0: i32, %arg1: i32) -> (i32, i32) {
    %c0_i32 = arith.constant 0 : i32
    %c0_i32_0 = arith.constant 0 : i32
    return %arg0, %c0_i32 : i32, i32
  }
  func.func @transform_2(%arg0: i32, %arg1: i32) -> (i32, i32) {
    %c0_i32 = arith.constant 0 : i32
    %c0_i32_0 = arith.constant 0 : i32
    return %arg0, %c0_i32 : i32, i32
  }
  func.func @transform_3(%arg0: i32, %arg1: i32) -> (i32, i32) {
    %mul3A = arith.constant 4 : i32
    %mul3A_0 = arith.muli %arg0, %mul3A : i32
    %add3A = arith.addi %mul3A_0, %arg1 : i32
    %c0_i32 = arith.constant 0 : i32
    %c0_i32_1 = arith.constant 0 : i32
    return %add3A, %c0_i32 : i32, i32
  }
}

module attributes {stable_mosaic.version = 14 : i64} {
  func.func @_kd(%arg0: i32, %arg1: memref<512x1024xbf16, #tpu.memory_space<vmem>>, %arg2: memref<512x1024xf32, #tpu.memory_space<vmem>>, %arg3: memref<2x6144xf32, #tpu.memory_space<vmem>>, %arg4: memref<1024x1024xbf16, #tpu.memory_space<vmem>>, %arg5: memref<1x1024xf32, #tpu.memory_space<vmem>>, %arg6: memref<4x1024xf32, #tpu.memory_space<vmem>>, %arg7: memref<512x1024xf32, #tpu.memory_space<vmem>>, %arg8: memref<512x1024xbf16, #tpu.memory_space<vmem>>, %arg9: memref<512x1024xf32, #tpu.memory_space<vmem>>, %arg10: memref<512x4xf32, #tpu.memory_space<vmem>>) attributes {dimension_semantics = [#tpu.dimension_semantics<arbitrary>], iteration_bounds = array<i64: 8>, scalar_prefetch = 0 : i64, scratch_operands = 0 : i64, tpu.core_type = #tpu.core_type<tc>, window_params = [{transform_indices = @transform_0, window_bounds = array<i64: 512, 1024>}, {transform_indices = @transform_1, window_bounds = array<i64: 512, 1024>}, {pipeline_mode = #tpu.pipeline_mode<synchronous>, transform_indices = @transform_2, window_bounds = array<i64: 2, 6144>}, {pipeline_mode = #tpu.pipeline_mode<synchronous>, transform_indices = @transform_3, window_bounds = array<i64: 1024, 1024>}, {pipeline_mode = #tpu.pipeline_mode<synchronous>, transform_indices = @transform_4, window_bounds = array<i64: 1, 1024>}, {pipeline_mode = #tpu.pipeline_mode<synchronous>, transform_indices = @transform_5, window_bounds = array<i64: 4, 1024>}, {transform_indices = @transform_6, window_bounds = array<i64: 512, 1024>}, {transform_indices = @transform_7, window_bounds = array<i64: 512, 1024>}, {transform_indices = @transform_8, window_bounds = array<i64: 512, 1024>}, {transform_indices = @transform_9, window_bounds = array<i64: 512, 4>}]} {
    %jit3A = arith.constant 4 : i32
    %div3A = arith.divsi %arg0, %jit3A : i32
    %sign3A = arith.constant 0 : i32
    %sign3A_0 = arith.cmpi sgt, %arg0, %sign3A : i32
    %sign3A_1 = arith.extui %sign3A_0 : i1 to i32
    %sign3A_2 = arith.constant 0 : i32
    %sign3A_3 = arith.cmpi slt, %arg0, %sign3A_2 : i32
    %sign3A_4 = arith.extui %sign3A_3 : i1 to i32
    %sign3A_5 = arith.subi %sign3A_1, %sign3A_4 : i32
    %sign3A_6 = arith.constant 0 : i32
    %sign3A_7 = arith.cmpi sgt, %jit3A, %sign3A_6 : i32
    %sign3A_8 = arith.extui %sign3A_7 : i1 to i32
    %sign3A_9 = arith.constant 0 : i32
    %sign3A_10 = arith.cmpi slt, %jit3A, %sign3A_9 : i32
    %sign3A_11 = arith.extui %sign3A_10 : i1 to i32
    %sign3A_12 = arith.subi %sign3A_8, %sign3A_11 : i32
    %ne3A = arith.cmpi ne, %sign3A_5, %sign3A_12 : i32
    %rem3A = arith.remsi %arg0, %jit3A : i32
    %ne3A_13 = arith.constant 0 : i32
    %ne3A_14 = arith.cmpi ne, %rem3A, %ne3A_13 : i32
    %and3A = arith.andi %ne3A, %ne3A_14 : i1
    %sub3A = arith.constant 1 : i32
    %sub3A_15 = arith.subi %div3A, %sub3A : i32
    %select_n3A = arith.select %and3A, %sub3A_15, %div3A : i32
    %get3A = arith.constant 0 : index
    %get3A_16 = arith.constant 0 : index
    %get3A_17 = vector.load %arg1[%get3A, %get3A_16] : memref<512x1024xbf16, #tpu.memory_space<vmem>>, vector<512x1024xbf16>
    %get3A_18 = arith.constant 0 : index
    %get3A_19 = arith.constant 0 : index
    %get3A_20 = vector.load %arg4[%get3A_18, %get3A_19] : memref<1024x1024xbf16, #tpu.memory_space<vmem>>, vector<1024x1024xbf16>
    %dot_general3A = arith.constant dense<0.000000e+00> : vector<512x1024xf32>
    %dot_general3A_21 = tpu.matmul %get3A_17, %get3A_20, %dot_general3A {dimension_numbers = #tpu.dot_dimension_numbers<[1], [1], [0], [0], [0, 0, 1, 0], [], []>, transpose_lhs_hint = false} : vector<512x1024xbf16>, vector<1024x1024xbf16>, vector<512x1024xf32> -> vector<512x1024xf32>
    %get3A_22 = arith.constant 0 : index
    %get3A_23 = arith.constant 0 : index
    %get3A_24 = vector.load %arg5[%get3A_22, %get3A_23] : memref<1x1024xf32, #tpu.memory_space<vmem>>, vector<1x1024xf32>
    %add3A = vector.broadcast %get3A_24 : vector<1x1024xf32> to vector<512x1024xf32>
    %add3A_25 = arith.addf %dot_general3A_21, %add3A : vector<512x1024xf32>
    %get3A_26 = arith.index_cast %select_n3A : i32 to index
    %get3A_27 = arith.constant 2048 : index
    %get3A_28 = vector.load %arg3[%get3A_26, %get3A_27] : memref<2x6144xf32, #tpu.memory_space<vmem>>, vector<1x1024xf32>
    %mul3A = vector.broadcast %get3A_28 : vector<1x1024xf32> to vector<512x1024xf32>
    %mul3A_29 = arith.mulf %mul3A, %add3A_25 : vector<512x1024xf32>
    %get3A_30 = arith.constant 0 : index
    %get3A_31 = arith.constant 0 : index
    %get3A_32 = vector.load %arg2[%get3A_30, %get3A_31] : memref<512x1024xf32, #tpu.memory_space<vmem>>, vector<512x1024xf32>
    %add3A_33 = arith.addf %mul3A_29, %get3A_32 : vector<512x1024xf32>
    %swap3A = arith.constant 0 : index
    %swap3A_34 = arith.constant 0 : index
    %swap3A_35 = vector.load %arg7[%swap3A, %swap3A_34] : memref<512x1024xf32, #tpu.memory_space<vmem>>, vector<512x1024xf32>
    tpu.vector_store %arg7[%swap3A, %swap3A_34], %add3A_33 {strides = array<i32>} : memref<512x1024xf32, #tpu.memory_space<vmem>>, vector<512x1024xf32>,
    %reduce_sum3A = arith.constant dense<0.000000e+00> : vector<512xf32>
    %reduce_sum3A_36 = vector.multi_reduction <add>, %add3A_33, %reduce_sum3A [1] : vector<512x1024xf32> to vector<512xf32>
    %broadcast_in_dim3A = vector.shape_cast %reduce_sum3A_36 : vector<512xf32> to vector<512x1xf32>
    %div3A_37 = arith.constant 1.024000e+03 : f32
    %div3A_38 = vector.broadcast %div3A_37 : f32 to vector<512x1xf32>
    %div3A_39 = arith.divf %broadcast_in_dim3A, %div3A_38 : vector<512x1xf32>
    %sub3A_40 = vector.broadcast %div3A_39 : vector<512x1xf32> to vector<512x1024xf32>
    %sub3A_41 = arith.subf %add3A_33, %sub3A_40 : vector<512x1024xf32>
    %sub3A_42 = vector.broadcast %div3A_39 : vector<512x1xf32> to vector<512x1024xf32>
    %sub3A_43 = arith.subf %add3A_33, %sub3A_42 : vector<512x1024xf32>
    %mul3A_44 = arith.mulf %sub3A_41, %sub3A_43 : vector<512x1024xf32>
    %reduce_sum3A_45 = arith.constant dense<0.000000e+00> : vector<512xf32>
    %reduce_sum3A_46 = vector.multi_reduction <add>, %mul3A_44, %reduce_sum3A_45 [1] : vector<512x1024xf32> to vector<512xf32>
    %broadcast_in_dim3A_47 = vector.shape_cast %reduce_sum3A_46 : vector<512xf32> to vector<512x1xf32>
    %div3A_48 = arith.constant 1.024000e+03 : f32
    %div3A_49 = vector.broadcast %div3A_48 : f32 to vector<512x1xf32>
    %div3A_50 = arith.divf %broadcast_in_dim3A_47, %div3A_49 : vector<512x1xf32>
    %sub3A_51 = vector.broadcast %div3A_39 : vector<512x1xf32> to vector<512x1024xf32>
    %sub3A_52 = arith.subf %add3A_33, %sub3A_51 : vector<512x1024xf32>
    %add3A_53 = arith.constant 9.99999997E-7 : f32
    %add3A_54 = vector.broadcast %add3A_53 : f32 to vector<512x1xf32>
    %add3A_55 = arith.addf %div3A_50, %add3A_54 : vector<512x1xf32>
    %rsqrt3A = math.rsqrt %add3A_55 : vector<512x1xf32>
    %mul3A_56 = vector.broadcast %rsqrt3A : vector<512x1xf32> to vector<512x1024xf32>
    %mul3A_57 = arith.mulf %sub3A_52, %mul3A_56 : vector<512x1024xf32>
    %get3A_58 = arith.index_cast %select_n3A : i32 to index
    %get3A_59 = arith.constant 3072 : index
    %get3A_60 = vector.load %arg3[%get3A_58, %get3A_59] : memref<2x6144xf32, #tpu.memory_space<vmem>>, vector<1x1024xf32>
    %get3A_61 = arith.index_cast %select_n3A : i32 to index
    %get3A_62 = arith.constant 4096 : index
    %get3A_63 = vector.load %arg3[%get3A_61, %get3A_62] : memref<2x6144xf32, #tpu.memory_space<vmem>>, vector<1x1024xf32>
    %add3A_64 = arith.constant 1.000000e+00 : f32
    %add3A_65 = vector.broadcast %add3A_64 : f32 to vector<1x1024xf32>
    %add3A_66 = arith.addf %add3A_65, %get3A_63 : vector<1x1024xf32>
    %mul3A_67 = vector.broadcast %add3A_66 : vector<1x1024xf32> to vector<512x1024xf32>
    %mul3A_68 = arith.mulf %mul3A_57, %mul3A_67 : vector<512x1024xf32>
    %add3A_69 = vector.broadcast %get3A_60 : vector<1x1024xf32> to vector<512x1024xf32>
    %add3A_70 = arith.addf %mul3A_68, %add3A_69 : vector<512x1024xf32>
    %convert_element_type3A = arith.truncf %add3A_70 : vector<512x1024xf32> to vector<512x1024xbf16>
    %swap3A_71 = arith.constant 0 : index
    %swap3A_72 = arith.constant 0 : index
    %swap3A_73 = vector.load %arg8[%swap3A_71, %swap3A_72] : memref<512x1024xbf16, #tpu.memory_space<vmem>>, vector<512x1024xbf16>
    tpu.vector_store %arg8[%swap3A_71, %swap3A_72], %convert_element_type3A {strides = array<i32>} : memref<512x1024xbf16, #tpu.memory_space<vmem>>, vector<512x1024xbf16>,
    %swap3A_74 = arith.constant 0 : index
    %swap3A_75 = arith.constant 0 : index
    %swap3A_76 = vector.load %arg9[%swap3A_74, %swap3A_75] : memref<512x1024xf32, #tpu.memory_space<vmem>>, vector<512x1024xf32>
    tpu.vector_store %arg9[%swap3A_74, %swap3A_75], %add3A_70 {strides = array<i32>} : memref<512x1024xf32, #tpu.memory_space<vmem>>, vector<512x1024xf32>,
    %get3A_77 = arith.constant 0 : index
    %get3A_78 = arith.constant 0 : index
    %get3A_79 = vector.load %arg6[%get3A_77, %get3A_78] : memref<4x1024xf32, #tpu.memory_space<vmem>>, vector<4x1024xf32>
    %dot_general3A_80 = arith.constant dense<0.000000e+00> : vector<512x4xf32>
    %dot_general3A_81 = tpu.matmul %add3A_70, %get3A_79, %dot_general3A_80 {dimension_numbers = #tpu.dot_dimension_numbers<[1], [1], [0], [0], [0, 0, 1, 0], [], []>, transpose_lhs_hint = false} : vector<512x1024xf32>, vector<4x1024xf32>, vector<512x4xf32> -> vector<512x4xf32>
    %reduce_max3A = arith.constant dense<0xFF800000> : vector<512xf32>
    %reduce_max3A_82 = vector.multi_reduction <maximumf>, %dot_general3A_81, %reduce_max3A [1] : vector<512x4xf32> to vector<512xf32>
    %broadcast_in_dim3A_83 = vector.shape_cast %reduce_max3A_82 : vector<512xf32> to vector<512x1xf32>
    %sub3A_84 = vector.broadcast %broadcast_in_dim3A_83 : vector<512x1xf32> to vector<512x4xf32>
    %sub3A_85 = arith.subf %dot_general3A_81, %sub3A_84 : vector<512x4xf32>
    %exp3A = math.exp %sub3A_85 : vector<512x4xf32>
    %reduce_sum3A_86 = arith.constant dense<0.000000e+00> : vector<512xf32>
    %reduce_sum3A_87 = vector.multi_reduction <add>, %exp3A, %reduce_sum3A_86 [1] : vector<512x4xf32> to vector<512xf32>
    %broadcast_in_dim3A_88 = vector.shape_cast %reduce_sum3A_87 : vector<512xf32> to vector<512x1xf32>
    %div3A_89 = vector.broadcast %broadcast_in_dim3A_88 : vector<512x1xf32> to vector<512x4xf32>
    %div3A_90 = arith.divf %exp3A, %div3A_89 : vector<512x4xf32>
    %slice3A = vector.extract_strided_slice %div3A_90 {offsets = [0, 0], sizes = [512, 1], strides = [1, 1]} : vector<512x4xf32> to vector<512x1xf32>
    %slice3A_91 = vector.extract_strided_slice %div3A_90 {offsets = [0, 1], sizes = [512, 1], strides = [1, 1]} : vector<512x4xf32> to vector<512x1xf32>
    %slice3A_92 = vector.extract_strided_slice %div3A_90 {offsets = [0, 2], sizes = [512, 1], strides = [1, 1]} : vector<512x4xf32> to vector<512x1xf32>
    %slice3A_93 = vector.extract_strided_slice %div3A_90 {offsets = [0, 3], sizes = [512, 1], strides = [1, 1]} : vector<512x4xf32> to vector<512x1xf32>
    %broadcast_in_dim3A_94 = arith.constant 0.000000e+00 : f32
    %broadcast_in_dim3A_95 = vector.broadcast %broadcast_in_dim3A_94 : f32 to vector<512x1xf32>
    %gt3A = arith.cmpf ogt, %slice3A_91, %slice3A : vector<512x1xf32>
    %convert_element_type3A_96 = arith.extui %gt3A : vector<512x1xi1> to vector<512x1xi32>
    %convert_element_type3A_97 = arith.sitofp %convert_element_type3A_96 : vector<512x1xi32> to vector<512x1xf32>
    %add3A_98 = arith.addf %broadcast_in_dim3A_95, %convert_element_type3A_97 : vector<512x1xf32>
    %gt3A_99 = arith.cmpf ogt, %slice3A_92, %slice3A : vector<512x1xf32>
    %convert_element_type3A_100 = arith.extui %gt3A_99 : vector<512x1xi1> to vector<512x1xi32>
    %convert_element_type3A_101 = arith.sitofp %convert_element_type3A_100 : vector<512x1xi32> to vector<512x1xf32>
    %add3A_102 = arith.addf %add3A_98, %convert_element_type3A_101 : vector<512x1xf32>
    %gt3A_103 = arith.cmpf ogt, %slice3A_93, %slice3A : vector<512x1xf32>
    %convert_element_type3A_104 = arith.extui %gt3A_103 : vector<512x1xi1> to vector<512x1xi32>
    %convert_element_type3A_105 = arith.sitofp %convert_element_type3A_104 : vector<512x1xi32> to vector<512x1xf32>
    %add3A_106 = arith.addf %add3A_102, %convert_element_type3A_105 : vector<512x1xf32>
    %lt3A = arith.constant 2.000000e+00 : f32
    %lt3A_107 = vector.broadcast %lt3A : f32 to vector<512x1xf32>
    %lt3A_108 = arith.cmpf olt, %add3A_106, %lt3A_107 : vector<512x1xf32>
    %jit3A_109 = arith.constant 0.000000e+00 : f32
    %broadcast_in_dim3A_110 = vector.broadcast %jit3A_109 : f32 to vector<512x1xf32>
    %select_n3A_111 = arith.select %lt3A_108, %slice3A, %broadcast_in_dim3A_110 : vector<512x1xi1>, vector<512x1xf32>
    %broadcast_in_dim3A_112 = arith.constant 0.000000e+00 : f32
    %broadcast_in_dim3A_113 = vector.broadcast %broadcast_in_dim3A_112 : f32 to vector<512x1xf32>
    %ge3A = arith.cmpf oge, %slice3A, %slice3A_91 : vector<512x1xf32>
    %convert_element_type3A_114 = arith.extui %ge3A : vector<512x1xi1> to vector<512x1xi32>
    %convert_element_type3A_115 = arith.sitofp %convert_element_type3A_114 : vector<512x1xi32> to vector<512x1xf32>
    %add3A_116 = arith.addf %broadcast_in_dim3A_113, %convert_element_type3A_115 : vector<512x1xf32>
    %gt3A_117 = arith.cmpf ogt, %slice3A_92, %slice3A_91 : vector<512x1xf32>
    %convert_element_type3A_118 = arith.extui %gt3A_117 : vector<512x1xi1> to vector<512x1xi32>
    %convert_element_type3A_119 = arith.sitofp %convert_element_type3A_118 : vector<512x1xi32> to vector<512x1xf32>
    %add3A_120 = arith.addf %add3A_116, %convert_element_type3A_119 : vector<512x1xf32>
    %gt3A_121 = arith.cmpf ogt, %slice3A_93, %slice3A_91 : vector<512x1xf32>
    %convert_element_type3A_122 = arith.extui %gt3A_121 : vector<512x1xi1> to vector<512x1xi32>
    %convert_element_type3A_123 = arith.sitofp %convert_element_type3A_122 : vector<512x1xi32> to vector<512x1xf32>
    %add3A_124 = arith.addf %add3A_120, %convert_element_type3A_123 : vector<512x1xf32>
    %lt3A_125 = arith.constant 2.000000e+00 : f32
    %lt3A_126 = vector.broadcast %lt3A_125 : f32 to vector<512x1xf32>
    %lt3A_127 = arith.cmpf olt, %add3A_124, %lt3A_126 : vector<512x1xf32>
    %jit3A_128 = arith.constant 0.000000e+00 : f32
    %broadcast_in_dim3A_129 = vector.broadcast %jit3A_128 : f32 to vector<512x1xf32>
    %select_n3A_130 = arith.select %lt3A_127, %slice3A_91, %broadcast_in_dim3A_129 : vector<512x1xi1>, vector<512x1xf32>
    %broadcast_in_dim3A_131 = arith.constant 0.000000e+00 : f32
    %broadcast_in_dim3A_132 = vector.broadcast %broadcast_in_dim3A_131 : f32 to vector<512x1xf32>
    %ge3A_133 = arith.cmpf oge, %slice3A, %slice3A_92 : vector<512x1xf32>
    %convert_element_type3A_134 = arith.extui %ge3A_133 : vector<512x1xi1> to vector<512x1xi32>
    %convert_element_type3A_135 = arith.sitofp %convert_element_type3A_134 : vector<512x1xi32> to vector<512x1xf32>
    %add3A_136 = arith.addf %broadcast_in_dim3A_132, %convert_element_type3A_135 : vector<512x1xf32>
    %ge3A_137 = arith.cmpf oge, %slice3A_91, %slice3A_92 : vector<512x1xf32>
    %convert_element_type3A_138 = arith.extui %ge3A_137 : vector<512x1xi1> to vector<512x1xi32>
    %convert_element_type3A_139 = arith.sitofp %convert_element_type3A_138 : vector<512x1xi32> to vector<512x1xf32>
    %add3A_140 = arith.addf %add3A_136, %convert_element_type3A_139 : vector<512x1xf32>
    %gt3A_141 = arith.cmpf ogt, %slice3A_93, %slice3A_92 : vector<512x1xf32>
    %convert_element_type3A_142 = arith.extui %gt3A_141 : vector<512x1xi1> to vector<512x1xi32>
    %convert_element_type3A_143 = arith.sitofp %convert_element_type3A_142 : vector<512x1xi32> to vector<512x1xf32>
    %add3A_144 = arith.addf %add3A_140, %convert_element_type3A_143 : vector<512x1xf32>
    %lt3A_145 = arith.constant 2.000000e+00 : f32
    %lt3A_146 = vector.broadcast %lt3A_145 : f32 to vector<512x1xf32>
    %lt3A_147 = arith.cmpf olt, %add3A_144, %lt3A_146 : vector<512x1xf32>
    %jit3A_148 = arith.constant 0.000000e+00 : f32
    %broadcast_in_dim3A_149 = vector.broadcast %jit3A_148 : f32 to vector<512x1xf32>
    %select_n3A_150 = arith.select %lt3A_147, %slice3A_92, %broadcast_in_dim3A_149 : vector<512x1xi1>, vector<512x1xf32>
    %broadcast_in_dim3A_151 = arith.constant 0.000000e+00 : f32
    %broadcast_in_dim3A_152 = vector.broadcast %broadcast_in_dim3A_151 : f32 to vector<512x1xf32>
    %ge3A_153 = arith.cmpf oge, %slice3A, %slice3A_93 : vector<512x1xf32>
    %convert_element_type3A_154 = arith.extui %ge3A_153 : vector<512x1xi1> to vector<512x1xi32>
    %convert_element_type3A_155 = arith.sitofp %convert_element_type3A_154 : vector<512x1xi32> to vector<512x1xf32>
    %add3A_156 = arith.addf %broadcast_in_dim3A_152, %convert_element_type3A_155 : vector<512x1xf32>
    %ge3A_157 = arith.cmpf oge, %slice3A_91, %slice3A_93 : vector<512x1xf32>
    %convert_element_type3A_158 = arith.extui %ge3A_157 : vector<512x1xi1> to vector<512x1xi32>
    %convert_element_type3A_159 = arith.sitofp %convert_element_type3A_158 : vector<512x1xi32> to vector<512x1xf32>
    %add3A_160 = arith.addf %add3A_156, %convert_element_type3A_159 : vector<512x1xf32>
    %ge3A_161 = arith.cmpf oge, %slice3A_92, %slice3A_93 : vector<512x1xf32>
    %convert_element_type3A_162 = arith.extui %ge3A_161 : vector<512x1xi1> to vector<512x1xi32>
    %convert_element_type3A_163 = arith.sitofp %convert_element_type3A_162 : vector<512x1xi32> to vector<512x1xf32>
    %add3A_164 = arith.addf %add3A_160, %convert_element_type3A_163 : vector<512x1xf32>
    %lt3A_165 = arith.constant 2.000000e+00 : f32
    %lt3A_166 = vector.broadcast %lt3A_165 : f32 to vector<512x1xf32>
    %lt3A_167 = arith.cmpf olt, %add3A_164, %lt3A_166 : vector<512x1xf32>
    %jit3A_168 = arith.constant 0.000000e+00 : f32
    %broadcast_in_dim3A_169 = vector.broadcast %jit3A_168 : f32 to vector<512x1xf32>
    %select_n3A_170 = arith.select %lt3A_167, %slice3A_93, %broadcast_in_dim3A_169 : vector<512x1xi1>, vector<512x1xf32>
    %concatenate3A = tpu.concatenate %select_n3A_111, %select_n3A_130, %select_n3A_150, %select_n3A_170 in 1 : vector<512x1xf32>, vector<512x1xf32>, vector<512x1xf32>, vector<512x1xf32> -> vector<512x4xf32>
    %swap3A_171 = arith.constant 0 : index
    %swap3A_172 = arith.constant 0 : index
    %swap3A_173 = vector.load %arg10[%swap3A_171, %swap3A_172] : memref<512x4xf32, #tpu.memory_space<vmem>>, vector<512x4xf32>
    tpu.vector_store %arg10[%swap3A_171, %swap3A_172], %concatenate3A {strides = array<i32>} : memref<512x4xf32, #tpu.memory_space<vmem>>, vector<512x4xf32>,
    return
  }
  func.func @transform_0(%arg0: i32) -> (i32, i32) {
    %c0_i32 = arith.constant 0 : i32
    %c0_i32_0 = arith.constant 0 : i32
    return %arg0, %c0_i32 : i32, i32
  }
  func.func @transform_1(%arg0: i32) -> (i32, i32) {
    %c0_i32 = arith.constant 0 : i32
    %c0_i32_0 = arith.constant 0 : i32
    return %arg0, %c0_i32 : i32, i32
  }
  func.func @transform_2(%arg0: i32) -> (i32, i32) {
    %c0_i32 = arith.constant 0 : i32
    %c0_i32_0 = arith.constant 0 : i32
    %c0_i32_1 = arith.constant 0 : i32
    return %c0_i32, %c0_i32_0 : i32, i32
  }
  func.func @transform_3(%arg0: i32) -> (i32, i32) {
    %c0_i32 = arith.constant 0 : i32
    %c0_i32_0 = arith.constant 0 : i32
    %c0_i32_1 = arith.constant 0 : i32
    return %c0_i32, %c0_i32_0 : i32, i32
  }
  func.func @transform_4(%arg0: i32) -> (i32, i32) {
    %c0_i32 = arith.constant 0 : i32
    %c0_i32_0 = arith.constant 0 : i32
    %c0_i32_1 = arith.constant 0 : i32
    return %c0_i32, %c0_i32_0 : i32, i32
  }
  func.func @transform_5(%arg0: i32) -> (i32, i32) {
    %c0_i32 = arith.constant 0 : i32
    %c0_i32_0 = arith.constant 0 : i32
    %c0_i32_1 = arith.constant 0 : i32
    return %c0_i32, %c0_i32_0 : i32, i32
  }
  func.func @transform_6(%arg0: i32) -> (i32, i32) {
    %c0_i32 = arith.constant 0 : i32
    %c0_i32_0 = arith.constant 0 : i32
    return %arg0, %c0_i32 : i32, i32
  }
  func.func @transform_7(%arg0: i32) -> (i32, i32) {
    %c0_i32 = arith.constant 0 : i32
    %c0_i32_0 = arith.constant 0 : i32
    return %arg0, %c0_i32 : i32, i32
  }
  func.func @transform_8(%arg0: i32) -> (i32, i32) {
    %c0_i32 = arith.constant 0 : i32
    %c0_i32_0 = arith.constant 0 : i32
    return %arg0, %c0_i32 : i32, i32
  }
  func.func @transform_9(%arg0: i32) -> (i32, i32) {
    %c0_i32 = arith.constant 0 : i32
    %c0_i32_0 = arith.constant 0 : i32
    return %arg0, %c0_i32 : i32, i32
  }
}

module attributes {stable_mosaic.version = 14 : i64} {
  func.func @_kr(%arg0: i32, %arg1: i32, %arg2: memref<512x4xf32, #tpu.memory_space<vmem>>, %arg3: memref<512x1xi32, #tpu.memory_space<vmem>>, %arg4: memref<512x1xi32, #tpu.memory_space<vmem>>, %arg5: memref<512x1xf32, #tpu.memory_space<vmem>>, %arg6: memref<512x1xf32, #tpu.memory_space<vmem>>, %arg7: memref<1x35xi32, #tpu.memory_space<vmem>>, %arg8: memref<1x4xf32, #tpu.memory_space<vmem>>, %arg9: memref<1x4xf32, #tpu.memory_space<vmem>>) attributes {dimension_semantics = [#tpu.dimension_semantics<arbitrary>, #tpu.dimension_semantics<arbitrary>], iteration_bounds = array<i64: 2, 8>, scalar_prefetch = 0 : i64, scratch_operands = 2 : i64, tpu.core_type = #tpu.core_type<tc>, window_params = [{transform_indices = @transform_0, window_bounds = array<i64: 512, 4>}, {transform_indices = @transform_1, window_bounds = array<i64: 512, 1>}, {transform_indices = @transform_2, window_bounds = array<i64: 512, 1>}, {transform_indices = @transform_3, window_bounds = array<i64: 512, 1>}, {transform_indices = @transform_4, window_bounds = array<i64: 512, 1>}, {pipeline_mode = #tpu.pipeline_mode<synchronous>, transform_indices = @transform_5, window_bounds = array<i64: 1, 35>}]} {
    %eq3A = arith.constant 0 : i32
    %eq3A_0 = arith.cmpi eq, %arg1, %eq3A : i32
    %convert_element_type3A = arith.extui %eq3A_0 : i1 to i32
    %cond3A = arith.constant 0 : i32
    %cond3A_1 = arith.cmpi ne, %convert_element_type3A, %cond3A : i32
    scf.if %cond3A_1 {
      %broadcast_in_dim3A_36 = arith.constant 0.000000e+00 : f32
      %broadcast_in_dim3A_37 = vector.broadcast %broadcast_in_dim3A_36 : f32 to vector<1x4xf32>
      %swap3A_38 = arith.constant 0 : index
      %swap3A_39 = arith.constant 0 : index
      %swap3A_40 = vector.load %arg8[%swap3A_38, %swap3A_39] : memref<1x4xf32, #tpu.memory_space<vmem>>, vector<1x4xf32>
      tpu.vector_store %arg8[%swap3A_38, %swap3A_39], %broadcast_in_dim3A_37 {strides = array<i32>} : memref<1x4xf32, #tpu.memory_space<vmem>>, vector<1x4xf32>,
    } else {
    }
    %get3A = arith.constant 0 : index
    %get3A_2 = arith.constant 0 : index
    %get3A_3 = vector.load %arg2[%get3A, %get3A_2] : memref<512x4xf32, #tpu.memory_space<vmem>>, vector<512x4xf32>
    %gt3A = arith.constant 0.000000e+00 : f32
    %gt3A_4 = vector.broadcast %gt3A : f32 to vector<512x4xf32>
    %gt3A_5 = arith.cmpf ogt, %get3A_3, %gt3A_4 : vector<512x4xf32>
    %convert_element_type3A_6 = arith.extui %gt3A_5 : vector<512x4xi1> to vector<512x4xi32>
    %convert_element_type3A_7 = arith.sitofp %convert_element_type3A_6 : vector<512x4xi32> to vector<512x4xf32>
    %convert_element_type3A_8 = arith.truncf %convert_element_type3A_7 : vector<512x4xf32> to vector<512x4xbf16>
    %iota3A = tpu.iota {dimensions = array<i32: 0>} : vector<512x512xi32>
    %iota3A_9 = tpu.iota {dimensions = array<i32: 1>} : vector<512x512xi32>
    %lt3A = arith.cmpi slt, %iota3A_9, %iota3A : vector<512x512xi32>
    %convert_element_type3A_10 = arith.extui %lt3A : vector<512x512xi1> to vector<512x512xi32>
    %convert_element_type3A_11 = arith.sitofp %convert_element_type3A_10 : vector<512x512xi32> to vector<512x512xf32>
    %convert_element_type3A_12 = arith.truncf %convert_element_type3A_11 : vector<512x512xf32> to vector<512x512xbf16>
    %dot_general3A = arith.constant dense<0.000000e+00> : vector<512x4xf32>
    %dot_general3A_13 = tpu.matmul %convert_element_type3A_12, %convert_element_type3A_8, %dot_general3A {dimension_numbers = #tpu.dot_dimension_numbers<[1], [0], [0], [1], [0, 0, 1, 1], [], []>, transpose_lhs_hint = false} : vector<512x512xbf16>, vector<512x4xbf16>, vector<512x4xf32> -> vector<512x4xf32>
    %get3A_14 = arith.constant 0 : index
    %get3A_15 = arith.constant 0 : index
    %get3A_16 = vector.load %arg8[%get3A_14, %get3A_15] : memref<1x4xf32, #tpu.memory_space<vmem>>, vector<1x4xf32>
    %add3A = vector.broadcast %get3A_16 : vector<1x4xf32> to vector<512x4xf32>
    %add3A_17 = arith.addf %dot_general3A_13, %add3A : vector<512x4xf32>
    %convert_element_type3A_18 = arith.extui %gt3A_5 : vector<512x4xi1> to vector<512x4xi32>
    %convert_element_type3A_19 = arith.sitofp %convert_element_type3A_18 : vector<512x4xi32> to vector<512x4xf32>
    %reduce_sum3A = arith.constant dense<0.000000e+00> : vector<4xf32>
    %reduce_sum3A_20 = vector.multi_reduction <add>, %convert_element_type3A_19, %reduce_sum3A [0] : vector<512x4xf32> to vector<4xf32>
    %broadcast_in_dim3A = vector.shape_cast %reduce_sum3A_20 : vector<4xf32> to vector<1x4xf32>
    %add3A_21 = arith.addf %get3A_16, %broadcast_in_dim3A : vector<1x4xf32>
    %swap3A = arith.constant 0 : index
    %swap3A_22 = arith.constant 0 : index
    %swap3A_23 = vector.load %arg8[%swap3A, %swap3A_22] : memref<1x4xf32, #tpu.memory_space<vmem>>, vector<1x4xf32>
    tpu.vector_store %arg8[%swap3A, %swap3A_22], %add3A_21 {strides = array<i32>} : memref<1x4xf32, #tpu.memory_space<vmem>>, vector<1x4xf32>,
    %eq3A_24 = arith.constant 0 : i32
    %eq3A_25 = arith.cmpi eq, %arg0, %eq3A_24 : i32
    %eq3A_26 = arith.constant 7 : i32
    %eq3A_27 = arith.cmpi eq, %arg1, %eq3A_26 : i32
    %and3A = arith.andi %eq3A_25, %eq3A_27 : i1
    %convert_element_type3A_28 = arith.extui %and3A : i1 to i32
    %cond3A_29 = arith.constant 0 : i32
    %cond3A_30 = arith.cmpi ne, %convert_element_type3A_28, %cond3A_29 : i32
    scf.if %cond3A_30 {
      %get3A_36 = arith.constant 0 : index
      %get3A_37 = arith.constant 0 : index
      %get3A_38 = vector.load %arg8[%get3A_36, %get3A_37] : memref<1x4xf32, #tpu.memory_space<vmem>>, vector<1x4xf32>
      %add3A_39 = arith.constant 2.550000e+02 : f32
      %add3A_40 = vector.broadcast %add3A_39 : f32 to vector<1x4xf32>
      %add3A_41 = arith.addf %get3A_38, %add3A_40 : vector<1x4xf32>
      %mul3A = arith.constant 3.906250e-03 : f32
      %mul3A_42 = vector.broadcast %mul3A : f32 to vector<1x4xf32>
      %mul3A_43 = arith.mulf %add3A_41, %mul3A_42 : vector<1x4xf32>
      %floor3A = math.floor %mul3A_43 : vector<1x4xf32>
      %slice3A = vector.extract_strided_slice %floor3A {offsets = [0, 0], sizes = [1, 1], strides = [1, 1]} : vector<1x4xf32> to vector<1x1xf32>
      %slice3A_44 = vector.extract_strided_slice %floor3A {offsets = [0, 1], sizes = [1, 1], strides = [1, 1]} : vector<1x4xf32> to vector<1x1xf32>
      %add3A_45 = arith.addf %slice3A, %slice3A_44 : vector<1x1xf32>
      %slice3A_46 = vector.extract_strided_slice %floor3A {offsets = [0, 2], sizes = [1, 1], strides = [1, 1]} : vector<1x4xf32> to vector<1x1xf32>
      %add3A_47 = arith.addf %add3A_45, %slice3A_46 : vector<1x1xf32>
      %broadcast_in_dim3A_48 = arith.constant 0.000000e+00 : f32
      %broadcast_in_dim3A_49 = vector.broadcast %broadcast_in_dim3A_48 : f32 to vector<1x1xf32>
      %concatenate3A = tpu.concatenate %broadcast_in_dim3A_49, %slice3A, %add3A_45, %add3A_47 in 1 : vector<1x1xf32>, vector<1x1xf32>, vector<1x1xf32>, vector<1x1xf32> -> vector<1x4xf32>
      %mul3A_50 = arith.constant 2.560000e+02 : f32
      %mul3A_51 = vector.broadcast %mul3A_50 : f32 to vector<1x4xf32>
      %mul3A_52 = arith.mulf %concatenate3A, %mul3A_51 : vector<1x4xf32>
      %swap3A_53 = arith.constant 0 : index
      %swap3A_54 = arith.constant 0 : index
      %swap3A_55 = vector.load %arg9[%swap3A_53, %swap3A_54] : memref<1x4xf32, #tpu.memory_space<vmem>>, vector<1x4xf32>
      tpu.vector_store %arg9[%swap3A_53, %swap3A_54], %mul3A_52 {strides = array<i32>} : memref<1x4xf32, #tpu.memory_space<vmem>>, vector<1x4xf32>,
      %iota3A_56 = tpu.iota {dimensions = array<i32: 1>} : vector<1x35xi32>
      %convert_element_type3A_57 = arith.sitofp %iota3A_56 : vector<1x35xi32> to vector<1x35xf32>
      %broadcast_in_dim3A_58 = arith.constant 0.000000e+00 : f32
      %broadcast_in_dim3A_59 = vector.broadcast %broadcast_in_dim3A_58 : f32 to vector<1x35xf32>
      %ge3A = vector.broadcast %slice3A : vector<1x1xf32> to vector<1x35xf32>
      %ge3A_60 = arith.cmpf oge, %convert_element_type3A_57, %ge3A : vector<1x35xf32>
      %convert_element_type3A_61 = arith.extui %ge3A_60 : vector<1x35xi1> to vector<1x35xi32>
      %convert_element_type3A_62 = arith.sitofp %convert_element_type3A_61 : vector<1x35xi32> to vector<1x35xf32>
      %add3A_63 = arith.addf %broadcast_in_dim3A_59, %convert_element_type3A_62 : vector<1x35xf32>
      %ge3A_64 = vector.broadcast %add3A_45 : vector<1x1xf32> to vector<1x35xf32>
      %ge3A_65 = arith.cmpf oge, %convert_element_type3A_57, %ge3A_64 : vector<1x35xf32>
      %convert_element_type3A_66 = arith.extui %ge3A_65 : vector<1x35xi1> to vector<1x35xi32>
      %convert_element_type3A_67 = arith.sitofp %convert_element_type3A_66 : vector<1x35xi32> to vector<1x35xf32>
      %add3A_68 = arith.addf %add3A_63, %convert_element_type3A_67 : vector<1x35xf32>
      %ge3A_69 = vector.broadcast %add3A_47 : vector<1x1xf32> to vector<1x35xf32>
      %ge3A_70 = arith.cmpf oge, %convert_element_type3A_57, %ge3A_69 : vector<1x35xf32>
      %convert_element_type3A_71 = arith.extui %ge3A_70 : vector<1x35xi1> to vector<1x35xi32>
      %convert_element_type3A_72 = arith.sitofp %convert_element_type3A_71 : vector<1x35xi32> to vector<1x35xf32>
      %add3A_73 = arith.addf %add3A_68, %convert_element_type3A_72 : vector<1x35xf32>
      %convert_element_type3A_74 = arith.fptosi %add3A_73 : vector<1x35xf32> to vector<1x35xi32>
      %swap3A_75 = arith.constant 0 : index
      %swap3A_76 = arith.constant 0 : index
      %swap3A_77 = vector.load %arg7[%swap3A_75, %swap3A_76] : memref<1x35xi32, #tpu.memory_space<vmem>>, vector<1x35xi32>
      tpu.vector_store %arg7[%swap3A_75, %swap3A_76], %convert_element_type3A_74 {strides = array<i32>} : memref<1x35xi32, #tpu.memory_space<vmem>>, vector<1x35xi32>,
    } else {
    }
    %eq3A_31 = arith.constant 1 : i32
    %eq3A_32 = arith.cmpi eq, %arg0, %eq3A_31 : i32
    %convert_element_type3A_33 = arith.extui %eq3A_32 : i1 to i32
    %cond3A_34 = arith.constant 0 : i32
    %cond3A_35 = arith.cmpi ne, %convert_element_type3A_33, %cond3A_34 : i32
    scf.if %cond3A_35 {
      %get3A_36 = arith.constant 0 : index
      %get3A_37 = arith.constant 0 : index
      %get3A_38 = vector.load %arg9[%get3A_36, %get3A_37] : memref<1x4xf32, #tpu.memory_space<vmem>>, vector<1x4xf32>
      %add3A_39 = vector.broadcast %get3A_38 : vector<1x4xf32> to vector<512x4xf32>
      %add3A_40 = arith.addf %add3A_39, %add3A_17 : vector<512x4xf32>
      %jit3A = arith.constant 1.000000e+09 : f32
      %broadcast_in_dim3A_41 = vector.broadcast %jit3A : f32 to vector<512x4xf32>
      %select_n3A = arith.select %gt3A_5, %add3A_40, %broadcast_in_dim3A_41 : vector<512x4xi1>, vector<512x4xf32>
      %reduce_min3A = arith.constant dense<0x7F800000> : vector<512xf32>
      %reduce_min3A_42 = vector.multi_reduction <minimumf>, %select_n3A, %reduce_min3A [1] : vector<512x4xf32> to vector<512xf32>
      %broadcast_in_dim3A_43 = vector.shape_cast %reduce_min3A_42 : vector<512xf32> to vector<512x1xf32>
      %neg3A = arith.constant 0.000000e+00 : f32
      %neg3A_44 = arith.constant 1.000000e+09 : f32
      %neg3A_45 = arith.subf %neg3A, %neg3A_44 : f32
      %broadcast_in_dim3A_46 = vector.broadcast %neg3A_45 : f32 to vector<512x4xf32>
      %select_n3A_47 = arith.select %gt3A_5, %add3A_40, %broadcast_in_dim3A_46 : vector<512x4xi1>, vector<512x4xf32>
      %reduce_max3A = arith.constant dense<0xFF800000> : vector<512xf32>
      %reduce_max3A_48 = vector.multi_reduction <maximumf>, %select_n3A_47, %reduce_max3A [1] : vector<512x4xf32> to vector<512xf32>
      %broadcast_in_dim3A_49 = vector.shape_cast %reduce_max3A_48 : vector<512xf32> to vector<512x1xf32>
      %eq3A_50 = vector.broadcast %broadcast_in_dim3A_43 : vector<512x1xf32> to vector<512x4xf32>
      %eq3A_51 = arith.cmpf oeq, %add3A_40, %eq3A_50 : vector<512x4xf32>
      %jit3A_52 = arith.constant 0.000000e+00 : f32
      %broadcast_in_dim3A_53 = vector.broadcast %jit3A_52 : f32 to vector<512x4xf32>
      %select_n3A_54 = arith.select %eq3A_51, %get3A_3, %broadcast_in_dim3A_53 : vector<512x4xi1>, vector<512x4xf32>
      %reduce_sum3A_55 = arith.constant dense<0.000000e+00> : vector<512xf32>
      %reduce_sum3A_56 = vector.multi_reduction <add>, %select_n3A_54, %reduce_sum3A_55 [1] : vector<512x4xf32> to vector<512xf32>
      %broadcast_in_dim3A_57 = vector.shape_cast %reduce_sum3A_56 : vector<512xf32> to vector<512x1xf32>
      %eq3A_58 = vector.broadcast %broadcast_in_dim3A_49 : vector<512x1xf32> to vector<512x4xf32>
      %eq3A_59 = arith.cmpf oeq, %add3A_40, %eq3A_58 : vector<512x4xf32>
      %jit3A_60 = arith.constant 0.000000e+00 : f32
      %broadcast_in_dim3A_61 = vector.broadcast %jit3A_60 : f32 to vector<512x4xf32>
      %select_n3A_62 = arith.select %eq3A_59, %get3A_3, %broadcast_in_dim3A_61 : vector<512x4xi1>, vector<512x4xf32>
      %reduce_sum3A_63 = arith.constant dense<0.000000e+00> : vector<512xf32>
      %reduce_sum3A_64 = vector.multi_reduction <add>, %select_n3A_62, %reduce_sum3A_63 [1] : vector<512x4xf32> to vector<512xf32>
      %broadcast_in_dim3A_65 = vector.shape_cast %reduce_sum3A_64 : vector<512xf32> to vector<512x1xf32>
      %convert_element_type3A_66 = arith.fptosi %broadcast_in_dim3A_43 : vector<512x1xf32> to vector<512x1xi32>
      %swap3A_67 = arith.constant 0 : index
      %swap3A_68 = arith.constant 0 : index
      %swap3A_69 = vector.load %arg3[%swap3A_67, %swap3A_68] : memref<512x1xi32, #tpu.memory_space<vmem>>, vector<512x1xi32>
      tpu.vector_store %arg3[%swap3A_67, %swap3A_68], %convert_element_type3A_66 {strides = array<i32>} : memref<512x1xi32, #tpu.memory_space<vmem>>, vector<512x1xi32>,
      %convert_element_type3A_70 = arith.fptosi %broadcast_in_dim3A_49 : vector<512x1xf32> to vector<512x1xi32>
      %swap3A_71 = arith.constant 0 : index
      %swap3A_72 = arith.constant 0 : index
      %swap3A_73 = vector.load %arg4[%swap3A_71, %swap3A_72] : memref<512x1xi32, #tpu.memory_space<vmem>>, vector<512x1xi32>
      tpu.vector_store %arg4[%swap3A_71, %swap3A_72], %convert_element_type3A_70 {strides = array<i32>} : memref<512x1xi32, #tpu.memory_space<vmem>>, vector<512x1xi32>,
      %swap3A_74 = arith.constant 0 : index
      %swap3A_75 = arith.constant 0 : index
      %swap3A_76 = vector.load %arg5[%swap3A_74, %swap3A_75] : memref<512x1xf32, #tpu.memory_space<vmem>>, vector<512x1xf32>
      tpu.vector_store %arg5[%swap3A_74, %swap3A_75], %broadcast_in_dim3A_57 {strides = array<i32>} : memref<512x1xf32, #tpu.memory_space<vmem>>, vector<512x1xf32>,
      %swap3A_77 = arith.constant 0 : index
      %swap3A_78 = arith.constant 0 : index
      %swap3A_79 = vector.load %arg6[%swap3A_77, %swap3A_78] : memref<512x1xf32, #tpu.memory_space<vmem>>, vector<512x1xf32>
      tpu.vector_store %arg6[%swap3A_77, %swap3A_78], %broadcast_in_dim3A_65 {strides = array<i32>} : memref<512x1xf32, #tpu.memory_space<vmem>>, vector<512x1xf32>,
    } else {
    }
    return
  }
  func.func @transform_0(%arg0: i32, %arg1: i32) -> (i32, i32) {
    %c0_i32 = arith.constant 0 : i32
    %c0_i32_0 = arith.constant 0 : i32
    return %arg1, %c0_i32 : i32, i32
  }
  func.func @transform_1(%arg0: i32, %arg1: i32) -> (i32, i32) {
    %c0_i32 = arith.constant 0 : i32
    %c0_i32_0 = arith.constant 0 : i32
    return %arg1, %c0_i32 : i32, i32
  }
  func.func @transform_2(%arg0: i32, %arg1: i32) -> (i32, i32) {
    %c0_i32 = arith.constant 0 : i32
    %c0_i32_0 = arith.constant 0 : i32
    return %arg1, %c0_i32 : i32, i32
  }
  func.func @transform_3(%arg0: i32, %arg1: i32) -> (i32, i32) {
    %c0_i32 = arith.constant 0 : i32
    %c0_i32_0 = arith.constant 0 : i32
    return %arg1, %c0_i32 : i32, i32
  }
  func.func @transform_4(%arg0: i32, %arg1: i32) -> (i32, i32) {
    %c0_i32 = arith.constant 0 : i32
    %c0_i32_0 = arith.constant 0 : i32
    return %arg1, %c0_i32 : i32, i32
  }
  func.func @transform_5(%arg0: i32, %arg1: i32) -> (i32, i32) {
    %c0_i32 = arith.constant 0 : i32
    %c0_i32_0 = arith.constant 0 : i32
    %c0_i32_1 = arith.constant 0 : i32
    return %c0_i32, %c0_i32_0 : i32, i32
  }
}

module attributes {stable_mosaic.version = 14 : i64} {
  func.func @_ks(%arg0: i32, %arg1: memref<1x35xi32, #tpu.memory_space<smem>>, %arg2: memref<256x1024xf32, #tpu.memory_space<vmem>>, %arg3: memref<1x2816x1024xbf16, #tpu.memory_space<vmem>>, %arg4: memref<1x2816x1024xbf16, #tpu.memory_space<vmem>>, %arg5: memref<1x1024x2816xbf16, #tpu.memory_space<vmem>>, %arg6: memref<256x1024xf32, #tpu.memory_space<vmem>>) attributes {dimension_semantics = [#tpu.dimension_semantics<arbitrary>], iteration_bounds = array<i64: 35>, scalar_prefetch = 1 : i64, scratch_operands = 0 : i64, tpu.core_type = #tpu.core_type<tc>, window_params = [{transform_indices = @transform_0, window_bounds = array<i64: 256, 1024>}, {transform_indices = @transform_1, window_bounds = array<i64: 1, 2816, 1024>}, {transform_indices = @transform_2, window_bounds = array<i64: 1, 2816, 1024>}, {transform_indices = @transform_3, window_bounds = array<i64: 1, 1024, 2816>}, {transform_indices = @transform_4, window_bounds = array<i64: 256, 1024>}]} {
    %get3A = arith.constant 0 : index
    %get3A_0 = arith.constant 0 : index
    %get3A_1 = vector.load %arg2[%get3A, %get3A_0] : memref<256x1024xf32, #tpu.memory_space<vmem>>, vector<256x1024xf32>
    %convert_element_type3A = arith.truncf %get3A_1 : vector<256x1024xf32> to vector<256x1024xbf16>
    %get3A_2 = arith.constant 0 : index
    %get3A_3 = arith.constant 0 : index
    %get3A_4 = arith.constant 0 : index
    %get3A_5 = vector.load %arg3[%get3A_2, %get3A_3, %get3A_4] : memref<1x2816x1024xbf16, #tpu.memory_space<vmem>>, vector<1x2816x1024xbf16>
    %get3A_6 = vector.shape_cast %get3A_5 : vector<1x2816x1024xbf16> to vector<2816x1024xbf16>
    %dot_general3A = arith.constant dense<0.000000e+00> : vector<256x2816xf32>
    %dot_general3A_7 = tpu.matmul %convert_element_type3A, %get3A_6, %dot_general3A {dimension_numbers = #tpu.dot_dimension_numbers<[1], [1], [0], [0], [0, 0, 1, 0], [], []>, transpose_lhs_hint = false} : vector<256x1024xbf16>, vector<2816x1024xbf16>, vector<256x2816xf32> -> vector<256x2816xf32>
    %get3A_8 = arith.constant 0 : index
    %get3A_9 = arith.constant 0 : index
    %get3A_10 = arith.constant 0 : index
    %get3A_11 = vector.load %arg4[%get3A_8, %get3A_9, %get3A_10] : memref<1x2816x1024xbf16, #tpu.memory_space<vmem>>, vector<1x2816x1024xbf16>
    %get3A_12 = vector.shape_cast %get3A_11 : vector<1x2816x1024xbf16> to vector<2816x1024xbf16>
    %dot_general3A_13 = arith.constant dense<0.000000e+00> : vector<256x2816xf32>
    %dot_general3A_14 = tpu.matmul %convert_element_type3A, %get3A_12, %dot_general3A_13 {dimension_numbers = #tpu.dot_dimension_numbers<[1], [1], [0], [0], [0, 0, 1, 0], [], []>, transpose_lhs_hint = false} : vector<256x1024xbf16>, vector<2816x1024xbf16>, vector<256x2816xf32> -> vector<256x2816xf32>
    %logistic3A = arith.negf %dot_general3A_7 : vector<256x2816xf32>
    %logistic3A_15 = math.exp %logistic3A : vector<256x2816xf32>
    %logistic3A_16 = arith.constant 1.000000e+00 : f32
    %logistic3A_17 = vector.broadcast %logistic3A_16 : f32 to vector<256x2816xf32>
    %logistic3A_18 = arith.addf %logistic3A_17, %logistic3A_15 : vector<256x2816xf32>
    %logistic3A_19 = arith.divf %logistic3A_17, %logistic3A_18 : vector<256x2816xf32>
    %mul3A = arith.mulf %dot_general3A_7, %logistic3A_19 : vector<256x2816xf32>
    %mul3A_20 = arith.mulf %mul3A, %dot_general3A_14 : vector<256x2816xf32>
    %convert_element_type3A_21 = arith.truncf %mul3A_20 : vector<256x2816xf32> to vector<256x2816xbf16>
    %get3A_22 = arith.constant 0 : index
    %get3A_23 = arith.constant 0 : index
    %get3A_24 = arith.constant 0 : index
    %get3A_25 = vector.load %arg5[%get3A_22, %get3A_23, %get3A_24] : memref<1x1024x2816xbf16, #tpu.memory_space<vmem>>, vector<1x1024x2816xbf16>
    %get3A_26 = vector.shape_cast %get3A_25 : vector<1x1024x2816xbf16> to vector<1024x2816xbf16>
    %dot_general3A_27 = arith.constant dense<0.000000e+00> : vector<256x1024xf32>
    %dot_general3A_28 = tpu.matmul %convert_element_type3A_21, %get3A_26, %dot_general3A_27 {dimension_numbers = #tpu.dot_dimension_numbers<[1], [1], [0], [0], [0, 0, 1, 0], [], []>, transpose_lhs_hint = false} : vector<256x2816xbf16>, vector<1024x2816xbf16>, vector<256x1024xf32> -> vector<256x1024xf32>
    %swap3A = arith.constant 0 : index
    %swap3A_29 = arith.constant 0 : index
    %swap3A_30 = vector.load %arg6[%swap3A, %swap3A_29] : memref<256x1024xf32, #tpu.memory_space<vmem>>, vector<256x1024xf32>
    tpu.vector_store %arg6[%swap3A, %swap3A_29], %dot_general3A_28 {strides = array<i32>} : memref<256x1024xf32, #tpu.memory_space<vmem>>, vector<256x1024xf32>,
    return
  }
  func.func @transform_0(%arg0: i32, %arg1: memref<1x35xi32, #tpu.memory_space<smem>>) -> (i32, i32) {
    %c0_i32 = arith.constant 0 : i32
    %c0_i32_0 = arith.constant 0 : i32
    return %arg0, %c0_i32 : i32, i32
  }
  func.func @transform_1(%arg0: i32, %arg1: memref<1x35xi32, #tpu.memory_space<smem>>) -> (i32, i32, i32) {
    %get3A = arith.constant 0 : index
    %get3A_0 = arith.index_cast %arg0 : i32 to index
    %get3A_1 = memref.load %arg1[%get3A, %get3A_0] : memref<1x35xi32, #tpu.memory_space<smem>>
    %c0_i32 = arith.constant 0 : i32
    %c0_i32_2 = arith.constant 0 : i32
    %c0_i32_3 = arith.constant 0 : i32
    return %get3A_1, %c0_i32, %c0_i32_2 : i32, i32, i32
  }
  func.func @transform_2(%arg0: i32, %arg1: memref<1x35xi32, #tpu.memory_space<smem>>) -> (i32, i32, i32) {
    %get3A = arith.constant 0 : index
    %get3A_0 = arith.index_cast %arg0 : i32 to index
    %get3A_1 = memref.load %arg1[%get3A, %get3A_0] : memref<1x35xi32, #tpu.memory_space<smem>>
    %c0_i32 = arith.constant 0 : i32
    %c0_i32_2 = arith.constant 0 : i32
    %c0_i32_3 = arith.constant 0 : i32
    return %get3A_1, %c0_i32, %c0_i32_2 : i32, i32, i32
  }
  func.func @transform_3(%arg0: i32, %arg1: memref<1x35xi32, #tpu.memory_space<smem>>) -> (i32, i32, i32) {
    %get3A = arith.constant 0 : index
    %get3A_0 = arith.index_cast %arg0 : i32 to index
    %get3A_1 = memref.load %arg1[%get3A, %get3A_0] : memref<1x35xi32, #tpu.memory_space<smem>>
    %c0_i32 = arith.constant 0 : i32
    %c0_i32_2 = arith.constant 0 : i32
    %c0_i32_3 = arith.constant 0 : i32
    return %get3A_1, %c0_i32, %c0_i32_2 : i32, i32, i32
  }
  func.func @transform_4(%arg0: i32, %arg1: memref<1x35xi32, #tpu.memory_space<smem>>) -> (i32, i32) {
    %c0_i32 = arith.constant 0 : i32
    %c0_i32_0 = arith.constant 0 : i32
    return %arg0, %c0_i32 : i32, i32
  }
}

module attributes {stable_mosaic.version = 14 : i64} {
  func.func @_kf(%arg0: i32, %arg1: memref<512x1024xbf16, #tpu.memory_space<vmem>>, %arg2: memref<512x1024xf32, #tpu.memory_space<vmem>>, %arg3: memref<512x1024xf32, #tpu.memory_space<vmem>>, %arg4: memref<512x1xf32, #tpu.memory_space<vmem>>, %arg5: memref<512x1xf32, #tpu.memory_space<vmem>>, %arg6: memref<512x1024xf32, #tpu.memory_space<vmem>>, %arg7: memref<2x6144xf32, #tpu.memory_space<vmem>>, %arg8: memref<1536x1024xbf16, #tpu.memory_space<vmem>>, %arg9: memref<1536x1024xbf16, #tpu.memory_space<vmem>>, %arg10: memref<1024x1536xbf16, #tpu.memory_space<vmem>>, %arg11: memref<512x1024xf32, #tpu.memory_space<vmem>>) attributes {dimension_semantics = [#tpu.dimension_semantics<arbitrary>], iteration_bounds = array<i64: 8>, scalar_prefetch = 0 : i64, scratch_operands = 0 : i64, tpu.core_type = #tpu.core_type<tc>, window_params = [{transform_indices = @transform_0, window_bounds = array<i64: 512, 1024>}, {transform_indices = @transform_1, window_bounds = array<i64: 512, 1024>}, {transform_indices = @transform_2, window_bounds = array<i64: 512, 1024>}, {transform_indices = @transform_3, window_bounds = array<i64: 512, 1>}, {transform_indices = @transform_4, window_bounds = array<i64: 512, 1>}, {transform_indices = @transform_5, window_bounds = array<i64: 512, 1024>}, {pipeline_mode = #tpu.pipeline_mode<synchronous>, transform_indices = @transform_6, window_bounds = array<i64: 2, 6144>}, {pipeline_mode = #tpu.pipeline_mode<synchronous>, transform_indices = @transform_7, window_bounds = array<i64: 1536, 1024>}, {pipeline_mode = #tpu.pipeline_mode<synchronous>, transform_indices = @transform_8, window_bounds = array<i64: 1536, 1024>}, {pipeline_mode = #tpu.pipeline_mode<synchronous>, transform_indices = @transform_9, window_bounds = array<i64: 1024, 1536>}, {transform_indices = @transform_10, window_bounds = array<i64: 512, 1024>}]} {
    %jit3A = arith.constant 4 : i32
    %div3A = arith.divsi %arg0, %jit3A : i32
    %sign3A = arith.constant 0 : i32
    %sign3A_0 = arith.cmpi sgt, %arg0, %sign3A : i32
    %sign3A_1 = arith.extui %sign3A_0 : i1 to i32
    %sign3A_2 = arith.constant 0 : i32
    %sign3A_3 = arith.cmpi slt, %arg0, %sign3A_2 : i32
    %sign3A_4 = arith.extui %sign3A_3 : i1 to i32
    %sign3A_5 = arith.subi %sign3A_1, %sign3A_4 : i32
    %sign3A_6 = arith.constant 0 : i32
    %sign3A_7 = arith.cmpi sgt, %jit3A, %sign3A_6 : i32
    %sign3A_8 = arith.extui %sign3A_7 : i1 to i32
    %sign3A_9 = arith.constant 0 : i32
    %sign3A_10 = arith.cmpi slt, %jit3A, %sign3A_9 : i32
    %sign3A_11 = arith.extui %sign3A_10 : i1 to i32
    %sign3A_12 = arith.subi %sign3A_8, %sign3A_11 : i32
    %ne3A = arith.cmpi ne, %sign3A_5, %sign3A_12 : i32
    %rem3A = arith.remsi %arg0, %jit3A : i32
    %ne3A_13 = arith.constant 0 : i32
    %ne3A_14 = arith.cmpi ne, %rem3A, %ne3A_13 : i32
    %and3A = arith.andi %ne3A, %ne3A_14 : i1
    %sub3A = arith.constant 1 : i32
    %sub3A_15 = arith.subi %div3A, %sub3A : i32
    %select_n3A = arith.select %and3A, %sub3A_15, %div3A : i32
    %get3A = arith.constant 0 : index
    %get3A_16 = arith.constant 0 : index
    %get3A_17 = vector.load %arg1[%get3A, %get3A_16] : memref<512x1024xbf16, #tpu.memory_space<vmem>>, vector<512x1024xbf16>
    %get3A_18 = arith.constant 0 : index
    %get3A_19 = arith.constant 0 : index
    %get3A_20 = vector.load %arg8[%get3A_18, %get3A_19] : memref<1536x1024xbf16, #tpu.memory_space<vmem>>, vector<1536x1024xbf16>
    %dot_general3A = arith.constant dense<0.000000e+00> : vector<512x1536xf32>
    %dot_general3A_21 = tpu.matmul %get3A_17, %get3A_20, %dot_general3A {dimension_numbers = #tpu.dot_dimension_numbers<[1], [1], [0], [0], [0, 0, 1, 0], [], []>, transpose_lhs_hint = false} : vector<512x1024xbf16>, vector<1536x1024xbf16>, vector<512x1536xf32> -> vector<512x1536xf32>
    %get3A_22 = arith.constant 0 : index
    %get3A_23 = arith.constant 0 : index
    %get3A_24 = vector.load %arg9[%get3A_22, %get3A_23] : memref<1536x1024xbf16, #tpu.memory_space<vmem>>, vector<1536x1024xbf16>
    %dot_general3A_25 = arith.constant dense<0.000000e+00> : vector<512x1536xf32>
    %dot_general3A_26 = tpu.matmul %get3A_17, %get3A_24, %dot_general3A_25 {dimension_numbers = #tpu.dot_dimension_numbers<[1], [1], [0], [0], [0, 0, 1, 0], [], []>, transpose_lhs_hint = false} : vector<512x1024xbf16>, vector<1536x1024xbf16>, vector<512x1536xf32> -> vector<512x1536xf32>
    %logistic3A = arith.negf %dot_general3A_21 : vector<512x1536xf32>
    %logistic3A_27 = math.exp %logistic3A : vector<512x1536xf32>
    %logistic3A_28 = arith.constant 1.000000e+00 : f32
    %logistic3A_29 = vector.broadcast %logistic3A_28 : f32 to vector<512x1536xf32>
    %logistic3A_30 = arith.addf %logistic3A_29, %logistic3A_27 : vector<512x1536xf32>
    %logistic3A_31 = arith.divf %logistic3A_29, %logistic3A_30 : vector<512x1536xf32>
    %mul3A = arith.mulf %dot_general3A_21, %logistic3A_31 : vector<512x1536xf32>
    %mul3A_32 = arith.mulf %mul3A, %dot_general3A_26 : vector<512x1536xf32>
    %convert_element_type3A = arith.truncf %mul3A_32 : vector<512x1536xf32> to vector<512x1536xbf16>
    %get3A_33 = arith.constant 0 : index
    %get3A_34 = arith.constant 0 : index
    %get3A_35 = vector.load %arg10[%get3A_33, %get3A_34] : memref<1024x1536xbf16, #tpu.memory_space<vmem>>, vector<1024x1536xbf16>
    %dot_general3A_36 = arith.constant dense<0.000000e+00> : vector<512x1024xf32>
    %dot_general3A_37 = tpu.matmul %convert_element_type3A, %get3A_35, %dot_general3A_36 {dimension_numbers = #tpu.dot_dimension_numbers<[1], [1], [0], [0], [0, 0, 1, 0], [], []>, transpose_lhs_hint = false} : vector<512x1536xbf16>, vector<1024x1536xbf16>, vector<512x1024xf32> -> vector<512x1024xf32>
    %get3A_38 = arith.constant 0 : index
    %get3A_39 = arith.constant 0 : index
    %get3A_40 = vector.load %arg4[%get3A_38, %get3A_39] : memref<512x1xf32, #tpu.memory_space<vmem>>, vector<512x1xf32>
    %get3A_41 = arith.constant 0 : index
    %get3A_42 = arith.constant 0 : index
    %get3A_43 = vector.load %arg2[%get3A_41, %get3A_42] : memref<512x1024xf32, #tpu.memory_space<vmem>>, vector<512x1024xf32>
    %mul3A_44 = vector.broadcast %get3A_40 : vector<512x1xf32> to vector<512x1024xf32>
    %mul3A_45 = arith.mulf %mul3A_44, %get3A_43 : vector<512x1024xf32>
    %get3A_46 = arith.constant 0 : index
    %get3A_47 = arith.constant 0 : index
    %get3A_48 = vector.load %arg5[%get3A_46, %get3A_47] : memref<512x1xf32, #tpu.memory_space<vmem>>, vector<512x1xf32>
    %get3A_49 = arith.constant 0 : index
    %get3A_50 = arith.constant 0 : index
    %get3A_51 = vector.load %arg3[%get3A_49, %get3A_50] : memref<512x1024xf32, #tpu.memory_space<vmem>>, vector<512x1024xf32>
    %mul3A_52 = vector.broadcast %get3A_48 : vector<512x1xf32> to vector<512x1024xf32>
    %mul3A_53 = arith.mulf %mul3A_52, %get3A_51 : vector<512x1024xf32>
    %add3A = arith.addf %mul3A_45, %mul3A_53 : vector<512x1024xf32>
    %add3A_54 = arith.addf %add3A, %dot_general3A_37 : vector<512x1024xf32>
    %get3A_55 = arith.index_cast %select_n3A : i32 to index
    %get3A_56 = arith.constant 5120 : index
    %get3A_57 = vector.load %arg7[%get3A_55, %get3A_56] : memref<2x6144xf32, #tpu.memory_space<vmem>>, vector<1x1024xf32>
    %mul3A_58 = vector.broadcast %get3A_57 : vector<1x1024xf32> to vector<512x1024xf32>
    %mul3A_59 = arith.mulf %mul3A_58, %add3A_54 : vector<512x1024xf32>
    %get3A_60 = arith.constant 0 : index
    %get3A_61 = arith.constant 0 : index
    %get3A_62 = vector.load %arg6[%get3A_60, %get3A_61] : memref<512x1024xf32, #tpu.memory_space<vmem>>, vector<512x1024xf32>
    %add3A_63 = arith.addf %mul3A_59, %get3A_62 : vector<512x1024xf32>
    %swap3A = arith.constant 0 : index
    %swap3A_64 = arith.constant 0 : index
    %swap3A_65 = vector.load %arg11[%swap3A, %swap3A_64] : memref<512x1024xf32, #tpu.memory_space<vmem>>, vector<512x1024xf32>
    tpu.vector_store %arg11[%swap3A, %swap3A_64], %add3A_63 {strides = array<i32>} : memref<512x1024xf32, #tpu.memory_space<vmem>>, vector<512x1024xf32>,
    return
  }
  func.func @transform_0(%arg0: i32) -> (i32, i32) {
    %c0_i32 = arith.constant 0 : i32
    %c0_i32_0 = arith.constant 0 : i32
    return %arg0, %c0_i32 : i32, i32
  }
  func.func @transform_1(%arg0: i32) -> (i32, i32) {
    %c0_i32 = arith.constant 0 : i32
    %c0_i32_0 = arith.constant 0 : i32
    return %arg0, %c0_i32 : i32, i32
  }
  func.func @transform_2(%arg0: i32) -> (i32, i32) {
    %c0_i32 = arith.constant 0 : i32
    %c0_i32_0 = arith.constant 0 : i32
    return %arg0, %c0_i32 : i32, i32
  }
  func.func @transform_3(%arg0: i32) -> (i32, i32) {
    %c0_i32 = arith.constant 0 : i32
    %c0_i32_0 = arith.constant 0 : i32
    return %arg0, %c0_i32 : i32, i32
  }
  func.func @transform_4(%arg0: i32) -> (i32, i32) {
    %c0_i32 = arith.constant 0 : i32
    %c0_i32_0 = arith.constant 0 : i32
    return %arg0, %c0_i32 : i32, i32
  }
  func.func @transform_5(%arg0: i32) -> (i32, i32) {
    %c0_i32 = arith.constant 0 : i32
    %c0_i32_0 = arith.constant 0 : i32
    return %arg0, %c0_i32 : i32, i32
  }
  func.func @transform_6(%arg0: i32) -> (i32, i32) {
    %c0_i32 = arith.constant 0 : i32
    %c0_i32_0 = arith.constant 0 : i32
    %c0_i32_1 = arith.constant 0 : i32
    return %c0_i32, %c0_i32_0 : i32, i32
  }
  func.func @transform_7(%arg0: i32) -> (i32, i32) {
    %c0_i32 = arith.constant 0 : i32
    %c0_i32_0 = arith.constant 0 : i32
    %c0_i32_1 = arith.constant 0 : i32
    return %c0_i32, %c0_i32_0 : i32, i32
  }
  func.func @transform_8(%arg0: i32) -> (i32, i32) {
    %c0_i32 = arith.constant 0 : i32
    %c0_i32_0 = arith.constant 0 : i32
    %c0_i32_1 = arith.constant 0 : i32
    return %c0_i32, %c0_i32_0 : i32, i32
  }
  func.func @transform_9(%arg0: i32) -> (i32, i32) {
    %c0_i32 = arith.constant 0 : i32
    %c0_i32_0 = arith.constant 0 : i32
    %c0_i32_1 = arith.constant 0 : i32
    return %c0_i32, %c0_i32_0 : i32, i32
  }
  func.func @transform_10(%arg0: i32) -> (i32, i32) {
    %c0_i32 = arith.constant 0 : i32
    %c0_i32_0 = arith.constant 0 : i32
    return %arg0, %c0_i32 : i32, i32
  }
}

</mosaic_0001>

<sc_bundles>
// kernel: kernel.11.cloned.1.call-start
scs
__scs_entry_jumppad:
0x0: {  	(pc) =	sbr.rel $0x88, $3  }
0x1: {  	(tag) =	ssettag $0x0;
	lr =	simm.s32 $0x1  }
0x2: {  	[smem:$0x3F8C] =	sst lr;
	_ =	strace $0xD0000000  }
0x3: {  	_ = 	snop  }
0x4: {  	_ = 	snop  }
0x5: {  	_ = 	snop  }
0x6: {  	_ = 	snop  }
0x7: {  	_ = 	snop  }
__scs_overlays_trampoline_lowered:
0x8: {  	[smem:$0x3F9B] =	sst s0  }
0x9: {  	[smem:$0x3F9C] =	sst s1  }
0xa: {  	[smem:$0x3F9D] =	sst s2  }
0xb: {  	[smem:$0x3F9E] =	sst s3  }
0xc: {  	[smem:$0x3F9F] =	sst s4  }
0xd: {  	[smem:$0x3FA0] =	sst s5  }
0xe: {  	[smem:$0x3FA1] =	sst s6  }
0xf: {  	[smem:$0x3FA2] =	sst s7  }
0x10: {  	[smem:$0x3FA3] =	sst s8  }
0x11: {  	[smem:$0x3FA4] =	sst s9;
	s0 =	simm.s32 @!p0 $0x0  }
0x12: {  	s1 =	sld [smem:$0x3F8A];
	s0 =	simm.s32 @p0 $0x1  }
0x13: {  	[smem:$0x3FA5] =	sst s0;
	s0 =	simm.s32 @!p1 $0x0  }
0x14: {  	s2 =	sld [smem:$0x3F89];
	s0 =	simm.s32 @p1 $0x1  }
0x15: {  	[smem:$0x3FA6] =	sst s0;
	s0 =	simm.s32 @!p2 $0x0  }
0x16: {  	s3 =	sld [smem:$0x3FDB];
	s0 =	simm.s32 @p2 $0x1  }
0x17: {  	s4 =	simm.s32 $0x1BF5;
	[smem:$0x3FA8] =	sst s0  }
0x18: {  	s0 =	sld [smem:$0x3F8B];
	_ =	swait.ge [sflag:s4], $0x0  }
0x19: {  	s7 =	sld [smem:$0x3F8C]  }
0x1a: {  	s8 =	sadd.s32 $0xFFFFE003, lr  }
0x1b: {  	s9 =	sadd.s32 $0xFFFFFEF7, lr;
	s5 =	simm.s32 $0xFFFFFFFF;
	p2 =	slt.u32 s8, $0xFFFFF086  }
0x1c: {  	p1 =	slt.u32 s9, $0xF7A;
	s5 =	simm.s32 @!p2 $0x0  }
0x1d: {  	s5 =	simm.s32 @p1 $0x1;
	p0 =	seq.s32 s7, s2  }
0x1e: {  	s7 =	smul.u32 @!p0 $0xF7A, s2;
	p2 =	seq.s32 @!p0 s5, $0x0  }
0x1f: {  	s9 =	smul.u32 $0xF7A, s1;
	s8 =	simm.s32 @!p0 $0x1BF5;
	p2 =	por !p2, p0  }
0x20: {  	[sflag:s8] =	ssyncset.s32 @!p0 $0xFFFFF086;
	s6 =	sadd.s32 @!p0 s3, s7;
	s7 =	simm.s32 @!p0 $0x108  }
0x21: {  	s3 =	sadd.s32 s3, s9;
	s6 =	sadd.s32 @!p0 $0x88, s6;
	s7 =	simm.s32 @p2 $0x1082  }
0x22: {  	[simem:s7], [sflag:s8] =	dma.local @!p0 [hbm:s6], $0xF7A  }
0x23: {  	s9 =	sor.u32 $0xD0000000, s2;
	s6 =	simm.s32 $0x108;
	_ =	swait.ge @!p0 [sflag:s8], $0x0  }
0x24: {  	s3 =	sadd.s32 $0x88, s3;
	s6 =	simm.s32 @!p1 $0x1082;
	[sflag:s4] =	ssyncset.s32 $0xFFFFF086  }
0x25: {  	[simem:s6], [sflag:s4] =	dma.local [hbm:s3], $0xF7A  }
0x26: {  	[smem:$0x3F8C] =	sst s1;
	(tag) =	ssettag s2;
	_ =	strace s9  }
0x27: {  	s1 =	sld [smem:$0x3F9C]  }
0x28: {  	s2 =	sld [smem:$0x3F9D]  }
0x29: {  	s4 =	sld [smem:$0x3F9F]  }
0x2a: {  	p0 =	seq.s32 s5, $0x0;
	s5 =	sld [smem:$0x3FA0]  }
0x2b: {  	s6 =	sld [smem:$0x3FA1]  }
0x2c: {  	s7 =	sld [smem:$0x3FA2]  }
0x2d: {  	s3 =	simm.s32 $0x108;
	s8 =	sld [smem:$0x3FA3]  }
0x2e: {  	s3 =	simm.s32 @!p0 $0x1082;
	s9 =	sld [smem:$0x3FA4]  }
0x2f: {  	lr =	sadd.s32 s0, s3;
	s0 =	sld [smem:$0x3F9B]  }
0x30: {  	s3 =	sld [smem:$0x3F9E]  }
0x31: {  	[smem:$0x3FA7] =	sst s10  }
0x32: {  	s10 =	sld [smem:$0x3FA5];
	_ =	sdelay $0x3  }
0x33: {  	p0 =	seq.s32 s10, $0x1;
	s10 =	sld [smem:$0x3FA7];
	_ =	sdelay $0x3  }
0x34: {  	[smem:$0x3FA7] =	sst s10  }
0x35: {  	s10 =	sld [smem:$0x3FA6];
	_ =	sdelay $0x3  }
0x36: {  	p1 =	seq.s32 s10, $0x1;
	s10 =	sld [smem:$0x3FA7];
	_ =	sdelay $0x3  }
0x37: {  	[smem:$0x3FA7] =	sst s10  }
0x38: {  	s10 =	sld [smem:$0x3FA8]  }
0x39: {  	_ = 	snop;
	(pc) =	sbr.ind lr, $3  }
0x3a: {  	_ = 	snop  }
0x3b: {  	_ = 	snop  }
0x3c: {  	p2 =	seq.s32 s10, $0x1;
	s10 =	sld [smem:$0x3FA7]  }
0x3d: {  	_ =	shalt  }
0x3e: {  	_ =	shalt  }
0x3f: {  	_ =	shalt  }
0x40: {  	_ =	shalt  }
0x41: {  	_ =	shalt  }
0x42: {  	_ =	shalt  }
0x43: {  	_ =	shalt  }
0x44: {  	_ =	shalt  }
0x45: {  	_ =	shalt  }
0x46: {  	_ =	shalt  }
0x47: {  	_ =	shalt  }
0x48: {  	_ =	shalt  }
0x49: {  	_ =	shalt  }
0x4a: {  	_ =	shalt  }
0x4b: {  	_ =	shalt  }
0x4c: {  	_ =	shalt  }
0x4d: {  	_ =	shalt  }
0x4e: {  	_ =	shalt  }
0x4f: {  	_ =	shalt  }
0x50: {  	_ =	shalt  }
0x51: {  	_ =	shalt  }
0x52: {  	_ =	shalt  }
0x53: {  	_ =	shalt  }
0x54: {  	_ =	shalt  }
0x55: {  	_ =	shalt  }
0x56: {  	_ =	shalt  }
0x57: {  	_ =	shalt  }
0x58: {  	_ =	shalt  }
0x59: {  	_ =	shalt  }
0x5a: {  	_ =	shalt  }
0x5b: {  	_ =	shalt  }
0x5c: {  	_ =	shalt  }
0x5d: {  	_ =	shalt  }
0x5e: {  	_ =	shalt  }
0x5f: {  	_ =	shalt  }
0x60: {  	_ =	shalt  }
0x61: {  	_ =	shalt  }
0x62: {  	_ =	shalt  }
0x63: {  	_ =	shalt  }
0x64: {  	_ =	shalt  }
0x65: {  	_ =	shalt  }
0x66: {  	_ =	shalt  }
0x67: {  	_ =	shalt  }
0x68: {  	_ =	shalt  }
0x69: {  	_ =	shalt  }
0x6a: {  	_ =	shalt  }
0x6b: {  	_ =	shalt  }
0x6c: {  	_ =	shalt  }
0x6d: {  	_ =	shalt  }
0x6e: {  	_ =	shalt  }
0x6f: {  	_ =	shalt  }
0x70: {  	_ =	shalt  }
0x71: {  	_ =	shalt  }
0x72: {  	_ =	shalt  }
0x73: {  	_ =	shalt  }
0x74: {  	_ =	shalt  }
0x75: {  	_ =	shalt  }
0x76: {  	_ =	shalt  }
0x77: {  	_ =	shalt  }
0x78: {  	_ =	shalt  }
0x79: {  	_ =	shalt  }
0x7a: {  	_ =	shalt  }
0x7b: {  	_ =	shalt  }
0x7c: {  	_ =	shalt  }
0x7d: {  	_ =	shalt  }
0x7e: {  	_ =	shalt  }
0x7f: {  	_ =	shalt  }
0x80: {  	_ =	shalt  }
0x81: {  	_ =	shalt  }
0x82: {  	_ =	shalt  }
0x83: {  	_ =	shalt  }
0x84: {  	_ =	shalt  }
0x85: {  	_ =	shalt  }
0x86: {  	_ =	shalt  }
0x87: {  	_ =	shalt  }
.Lfunc_end0:
.L_simem_size_0:
called_computation_lowered:
.L_overlay_start_0:
0x88: {  	s2 =	sld [smem:$0x3FD9]  }
0x89: {  	s3 =	sld [smem:$0x3FFE];
	_ =	sdelay $0x1  }
0x8a: {  	s1 =	srdreg.scid  }
0x8b: {  	s0 =	sand.u32 $0x1, s1  }
0x8c: {  	s17 =	sshll.u32 s0, $0xA;
	s2 =	sadd.s32 s3, s2  }
0x8d: {  	s2 =	sadd.s32 s2, s17  }
0x8e: {  	[smem:$0x3FB3] =	sst s2  }
0x8f: {  	_ = 	snop  }
0x90: {  	s2 =	sld [smem:$0x3FD0];
	(tm) =	ssettm $0x1  }
0x91: {  	s18 =	sld [smem:$0x3FFB];
	_ =	sdelay $0x3  }
0x92: {  	_ =	strace s18  }
0x93: {  	s3 =	sld [smem:$0x3FFC];
	_ =	sdelay $0x3  }
0x94: {  	_ =	strace s3  }
0x95: {  	s3 =	sld [smem:$0x3FFD];
	_ =	sdelay $0x3  }
0x96: {  	_ =	strace s3  }
0x97: {  	_ =	strace $0x8FFFFFFF  }
0x98: {  	s19 =	sld [smem:$0x3FDB];
	_ =	sdelay $0x1  }
0x99: {  	s4 =	simm.s32 $_scs_section_size  }
0x9a: {  	s5 =	simm.s32 $_size__tile_overlayer_lowered;
	s6 =	simm.s32 $_tile_overlayer_lowered  }
0x9b: {  	s22 =	simm.s32 $0x1BFF;
	s21 =	sshll.u32 s6, $0x1;
	s3 =	sadd.s32 s4, s19  }
0x9c: {  	s7 =	simm.s32 $0x0;
	s20 =	sshll.u32 s5, $0x1;
	s5 =	sadd.s32 s21, s3  }
0x9d: {  	[timem:s7], [sflag:s22] =	dma.local [hbm:s5], s20  }
0x9e: {  	_ =	swait.ge [sflag:s22], s20  }
0x9f: {  	s4 =	ssub.s32 $0x0, s20;
	[sflag:s22] =	ssyncset.done $0x0  }
0xa0: {  	[sflag:s22] =	ssyncadd.s32 s4;
	_ =	sdelay $0x1  }
0xa1: {  	s23 =	simm.s32 $0x1B8B  }
0xa2: {  	_ =	swait.ge [sflag:s23], $0x1  }
0xa3: {  	[sflag:s23] =	ssyncset.done $0x0  }
0xa4: {  	s25 =	simm.s32 $0x1B8E;
	s24 =	sld [smem:$0x3FFE];
	[sflag:s23] =	ssyncadd.s32 $0xFFFFFFFF  }
0xa5: {  	s26 =	simm.s32 $execute0_lowered;
	[smem:$0x3FD2] =	sst s25  }
0xa6: {  	s5 =	sshll.u32 s26, $0x1;
	_ =	strace $0x80000046;
	[dreg:$0x1] =	wrdreg $0xFFFFFFFF  }
0xa7: {  	s28 =	simm.s32 $_size_execute0_lowered;
	s3 =	sadd.s32 s3, s5;
	[dreg:$0x0] =	wrdreg $0x0  }
0xa8: {  	s5 =	sshll.u32 s28, $0x1;
	[dreg:$0x2] =	wrdreg s3  }
0xa9: {  	[dreg:$0x3] =	wrdreg s5  }
0xaa: {  	[dreg:$0x4] =	wrdreg $0xC0  }
0xab: {  	_ =	task [dreg:s7], $0x5FFFF  }
0xac: {  	[dreg:$0x1] =	wrdreg $0xFFFFFFFF  }
0xad: {  	[dreg:$0x0] =	wrdreg $0x60  }
0xae: {  	[dreg:$0x2] =	wrdreg s2  }
0xaf: {  	[dreg:$0x3] =	wrdreg s24  }
0xb0: {  	[dreg:$0x4] =	wrdreg $0x9  }
0xb1: {  	_ =	task.clear_ibuf [dreg:s7], $0x5FFFF;
	_ =	strace $0x90000046  }
0xb2: {  	s29 =	simm.s32 $0x9;
	_ =	strace $0x80000048  }
0xb3: {  	_ =	swait.ge [sflag:s29], $0x1  }
0xb4: {  	[sflag:s29] =	ssyncadd.s32 $0xFFFFFFFF  }
0xb5: {  	_ =	strace $0x90000048  }
0xb6: {  	_ =	sfence  }
0xb7: {  	s30 =	sld [smem:$0x0];
	_ =	sdelay $0x2  }
0xb8: {  	s31 =	sshll.u32 s1, $0xD;
	s1 =	sshrl.u32 s1, $0x2  }
0xb9: {  	s3 =	sand.u32 $0x4000, s31;
	s1 =	sadd.s32 s1, s30  }
0xba: {  	s0 =	sor.u32 s3, s0;
	s1 =	sshll.u32 s1, $0x11  }
0xbb: {  	s0 =	sor.u32 s1, s0  }
0xbc: {  	s0 =	sadd.s32 $0x8F2B, s0  }
0xbd: {  	[sflag:s0] =	ssyncadd.remote.s32 $0x1  }
0xbe: {  	_ =	sfence.sel $0xFFFF  }
0xbf: {  	[dreg:$0x0] =	wrdreg $0xFFFFFFFF;
	(pc) =	sbr.abs _section_cstart, $3  }
0xc0: {  	[dreg:$0x1] =	wrdreg $0xFFFFFFFF  }
0xc1: {  	_ =	task.clear_ibuf [dreg:s7], $0x2FFFF;
	_ =	strace $0x9FFFFFFF  }
0xc2: {  	(tm) =	ssettm $0x7FFFFFFF  }
0xc3: {  	_ =	shalt  }
tec
execute0_lowered:
.L_overlay_start_1:
0x0: {  	(tag) =	ssettag $0x1  }
0x1: {  	s7 =	rddreg [dreg:$0x0]  }
0x2: {  	s6 =	rddreg [dreg:$0x1]  }
0x3: {  	s2 =	srdreg.scid;
	s1 =	stileid.u32;
	s12 =	simm.s32 $0x800  }
0x4: {  	s13 =	simm.s32 $0x1000;
	s14 =	simm.s32 $0x1800;
	s15 =	simm.s32 $0x2000  }
0x5: {  	s16 =	simm.s32 $0x2800;
	s17 =	simm.s32 $0x3000;
	s18 =	simm.s32 $0x3800  }
0x6: {  	s19 =	simm.s32 $0x4000;
	s20 =	simm.s32 $0x4800;
	s21 =	simm.s32 $0x5000  }
0x7: {  	s22 =	simm.s32 $0x5800;
	s23 =	simm.s32 $0x6000;
	s24 =	simm.s32 $0x6800  }
0x8: {  	s25 =	simm.s32 $0x7000;
	s26 =	simm.s32 $0x7800;
	s28 =	simm.s32 $0x1  }
0x9: {  	s29 =	simm.s32 $0x0;
	s8 =	sand.u32 $0x1, s2;
	s2 =	simm.s32 $0x0  }
0xa: {  	s3 =	sshll.u32 s1, $0x8;
	s11 =	sshll.u32 s1, $0xF;
	s4 =	sshll.u32 s8, $0x7  }
0xb: {  	[smem:$0x7FF] =	sst s2;
	s30 =	ssub.s32 $0x2, s8;
	s11 =	sadd.s32 s11, s7  }
0xc: {  	s8 =	sshll.u32 s8, $0xE;
	s3 =	sor.u32 s4, s3;
	_ =	strace $0x80000047  }
0xd: {  	s5 =	sshrl.u32 s30, $0x1;
	s4 =	sadd.s32 $0xE4500, s6;
	s8 =	sadd.s32 s8, s11  }
0xe: {  	s11 =	simm.s32 $0x8000;
	s3 =	sshrl.u32 s3, $0x3;
	s10 =	ssub.s32 s30, s5  }
0xf: {  	v2 =	vlaneseq.u32;
	s5 =	sadd.s32 $0xE4600, s6;
	s9 =	sadd.s32 s3, s6;
	s3 =	sadd.s32 $0xE4400, s6  }
0x10: {  	vm0 =	vmmov $0xffff;
	v1 =	vshrl.u32 v2, $0x3;
	s6 =	sadd.s32 $0xE4700, s6;
	s7 =	smax.u32 s10, $0x1;
	s31 =	sadd.s32 $0xE4200, s9  }
0x11: {  	v0 =	vand.u32 $0x7, v2;
	v2 =	vor.u32 $0x8, v2;
	v1 =	vmul.u32 $0x8, v1;
	s10 =	simm.s32 $0x2;
	s9 =	sadd.s32 $0xE4000, s9;
	[dreg:$0x3] =	wrdreg s31  }
.LBB2_1:
0x12: {  	s30 =	smov.u32 s8;
	s31 =	simm.s32 $0x0  }
.LBB2_2:
0x13: {  	[tilespmem:s2], [sflag:$0x2] =	stream.linear.gather [hbm4b:s30+s2], $0x8000, $0x38;
	[tilespmem:$0x8080] =	vst v63  }
0x14: {  	_ =	swait.ge [sflag:s10], $0x8000  }
0x15: {  	[sflag:s10] =	ssyncset.done $0x0  }
0x16: {  	s0 =	sadd.s32 s31, s9;
	[sflag:s10] =	ssyncadd.s32 $0xFFFF8000  }
0x17: {  	[tilespmem:s11], [sflag:$0x2] =	stream.linear.gather [hbm4b:s0+s2], $0x20, $0x38;
	[tilespmem:$0x8080] =	vst v63  }
0x18: {  	_ =	swait.ge [sflag:s10], $0x20  }
0x19: {  	[sflag:s10] =	ssyncset.done $0x0  }
0x1a: {  	[sflag:s10] =	ssyncadd.s32 $0xFFFFFFE0  }
0x1b: {  	v3 =	vld [tilespmem:$0x8000];
	_ =	sdelay $0x4  }
0x1c: {  	v4 =	vshll.u32 v3, $0x3  }
0x1d: {  	v3 =	vand.u32 $0x7, v3;
	v4 =	vand.u32 $0xFFFFFFC0, v4  }
0x1e: {  	v3 =	vor.u32 v3, v4  }
0x1f: {  	v4 =	vperm.xlane v3, v0;
	_ =	sdelay $0x1  }
0x20: {  	v4 =	vadd.s32 v1, v4;
	_ =	sdelay $0x4  }
0x21: {  	[hbm4b:s3+s2] =	stream.indirect_vreg.scatter [tilespmem:s2], [sflag:$0x1], $0x80, v4, vm0, $0xb8;
	[tilespmem:$0x8080] =	vst v63  }
0x22: {  	v3 =	vperm.xlane v3, v2  }
0x23: {  	[hbm4b:s4+s2] =	stream.indirect_vreg.scatter [tilespmem:s12], [sflag:$0x1], $0x80, v4, vm0, $0xb8;
	[tilespmem:$0x8080] =	vst v63  }
0x24: {  	v3 =	vadd.s32 v1, v3  }
0x25: {  	[hbm4b:s5+s2] =	stream.indirect_vreg.scatter [tilespmem:s13], [sflag:$0x1], $0x80, v4, vm0, $0xb8;
	[tilespmem:$0x8080] =	vst v63  }
0x26: {  	_ = 	snop  }
0x27: {  	[hbm4b:s6+s2] =	stream.indirect_vreg.scatter [tilespmem:s14], [sflag:$0x1], $0x80, v4, vm0, $0xb8;
	[tilespmem:$0x8080] =	vst v63  }
0x28: {  	_ = 	snop  }
0x29: {  	[hbm4b:s3+s2] =	stream.indirect_vreg.scatter [tilespmem:s15], [sflag:$0x1], $0x80, v3, vm0, $0xb8;
	[tilespmem:$0x8080] =	vst v63  }
0x2a: {  	_ = 	snop  }
0x2b: {  	[hbm4b:s4+s2] =	stream.indirect_vreg.scatter [tilespmem:s16], [sflag:$0x1], $0x80, v3, vm0, $0xb8;
	[tilespmem:$0x8080] =	vst v63  }
0x2c: {  	_ = 	snop  }
0x2d: {  	[hbm4b:s5+s2] =	stream.indirect_vreg.scatter [tilespmem:s17], [sflag:$0x1], $0x80, v3, vm0, $0xb8;
	[tilespmem:$0x8080] =	vst v63  }
0x2e: {  	_ = 	snop  }
0x2f: {  	[hbm4b:s6+s2] =	stream.indirect_vreg.scatter [tilespmem:s18], [sflag:$0x1], $0x80, v3, vm0, $0xb8;
	[tilespmem:$0x8080] =	vst v63  }
0x30: {  	v3 =	vld [tilespmem:$0x8010];
	_ =	sdelay $0x4  }
0x31: {  	v61 =	vshll.u32 v3, $0x3  }
0x32: {  	v3 =	vand.u32 $0x7, v3;
	v4 =	vand.u32 $0xFFFFFFC0, v61  }
0x33: {  	v3 =	vor.u32 v3, v4  }
0x34: {  	v4 =	vperm.xlane v3, v0;
	_ =	sdelay $0x1  }
0x35: {  	v4 =	vadd.s32 v1, v4;
	_ =	sdelay $0x4  }
0x36: {  	[hbm4b:s3+s2] =	stream.indirect_vreg.scatter [tilespmem:s19], [sflag:$0x1], $0x80, v4, vm0, $0xb8;
	[tilespmem:$0x8080] =	vst v63  }
0x37: {  	v3 =	vperm.xlane v3, v2  }
0x38: {  	[hbm4b:s4+s2] =	stream.indirect_vreg.scatter [tilespmem:s20], [sflag:$0x1], $0x80, v4, vm0, $0xb8;
	[tilespmem:$0x8080] =	vst v63  }
0x39: {  	v3 =	vadd.s32 v1, v3  }
0x3a: {  	[hbm4b:s5+s2] =	stream.indirect_vreg.scatter [tilespmem:s21], [sflag:$0x1], $0x80, v4, vm0, $0xb8;
	[tilespmem:$0x8080] =	vst v63  }
0x3b: {  	_ = 	snop  }
0x3c: {  	[hbm4b:s6+s2] =	stream.indirect_vreg.scatter [tilespmem:s22], [sflag:$0x1], $0x80, v4, vm0, $0xb8;
	[tilespmem:$0x8080] =	vst v63  }
0x3d: {  	_ = 	snop  }
0x3e: {  	[hbm4b:s3+s2] =	stream.indirect_vreg.scatter [tilespmem:s23], [sflag:$0x1], $0x80, v3, vm0, $0xb8;
	[tilespmem:$0x8080] =	vst v63  }
0x3f: {  	_ = 	snop  }
0x40: {  	[hbm4b:s4+s2] =	stream.indirect_vreg.scatter [tilespmem:s24], [sflag:$0x1], $0x80, v3, vm0, $0xb8;
	[tilespmem:$0x8080] =	vst v63  }
0x41: {  	_ = 	snop  }
0x42: {  	[hbm4b:s5+s2] =	stream.indirect_vreg.scatter [tilespmem:s25], [sflag:$0x1], $0x80, v3, vm0, $0xb8;
	[tilespmem:$0x8080] =	vst v63  }
0x43: {  	_ = 	snop  }
0x44: {  	[hbm4b:s6+s2] =	stream.indirect_vreg.scatter [tilespmem:s26], [sflag:$0x1], $0x80, v3, vm0, $0xb8;
	[tilespmem:$0x8080] =	vst v63  }
0x45: {  	_ =	swait.ge [sflag:s28], $0x8000  }
0x46: {  	s0 =	rddreg [dreg:$0x3];
	[sflag:s28] =	ssyncset.done $0x0  }
0x47: {  	[sflag:s28] =	ssyncadd.s32 $0xFFFF8000;
	s0 =	sadd.s32 s31, s0  }
0x48: {  	[tilespmem:s11], [sflag:$0x2] =	stream.linear.gather [hbm4b:s0+s2], $0x20, $0x38;
	[tilespmem:$0x8080] =	vst v63  }
0x49: {  	_ =	swait.ge [sflag:s10], $0x20  }
0x4a: {  	[sflag:s10] =	ssyncset.done $0x0  }
0x4b: {  	[sflag:s10] =	ssyncadd.s32 $0xFFFFFFE0  }
0x4c: {  	v3 =	vld [tilespmem:$0x8000];
	_ =	sdelay $0x4  }
0x4d: {  	v62 =	vshll.u32 v3, $0x3  }
0x4e: {  	v3 =	vand.u32 $0x7, v3;
	v4 =	vand.u32 $0xFFFFFFC0, v62  }
0x4f: {  	v3 =	vor.u32 v3, v4  }
0x50: {  	v4 =	vperm.xlane v3, v0;
	_ =	sdelay $0x1  }
0x51: {  	v4 =	vadd.s32 v1, v4;
	_ =	sdelay $0x4  }
0x52: {  	[hbm4b:s3+s2] =	stream.indirect_vreg.scatter [tilespmem:s2], [sflag:$0x1], $0x80, v4, vm0, $0xb8;
	[tilespmem:$0x8080] =	vst v63  }
0x53: {  	v3 =	vperm.xlane v3, v2  }
0x54: {  	[hbm4b:s4+s2] =	stream.indirect_vreg.scatter [tilespmem:s12], [sflag:$0x1], $0x80, v4, vm0, $0xb8;
	[tilespmem:$0x8080] =	vst v63  }
0x55: {  	v3 =	vadd.s32 v1, v3  }
0x56: {  	[hbm4b:s5+s2] =	stream.indirect_vreg.scatter [tilespmem:s13], [sflag:$0x1], $0x80, v4, vm0, $0xb8;
	[tilespmem:$0x8080] =	vst v63  }
0x57: {  	_ = 	snop  }
0x58: {  	[hbm4b:s6+s2] =	stream.indirect_vreg.scatter [tilespmem:s14], [sflag:$0x1], $0x80, v4, vm0, $0xb8;
	[tilespmem:$0x8080] =	vst v63  }
0x59: {  	_ = 	snop  }
0x5a: {  	[hbm4b:s3+s2] =	stream.indirect_vreg.scatter [tilespmem:s15], [sflag:$0x1], $0x80, v3, vm0, $0xb8;
	[tilespmem:$0x8080] =	vst v63  }
0x5b: {  	_ = 	snop  }
0x5c: {  	[hbm4b:s4+s2] =	stream.indirect_vreg.scatter [tilespmem:s16], [sflag:$0x1], $0x80, v3, vm0, $0xb8;
	[tilespmem:$0x8080] =	vst v63  }
0x5d: {  	_ = 	snop  }
0x5e: {  	[hbm4b:s5+s2] =	stream.indirect_vreg.scatter [tilespmem:s17], [sflag:$0x1], $0x80, v3, vm0, $0xb8;
	[tilespmem:$0x8080] =	vst v63  }
0x5f: {  	_ = 	snop  }
0x60: {  	[hbm4b:s6+s2] =	stream.indirect_vreg.scatter [tilespmem:s18], [sflag:$0x1], $0x80, v3, vm0, $0xb8;
	[tilespmem:$0x8080] =	vst v63  }
0x61: {  	v3 =	vld [tilespmem:$0x8010];
	_ =	sdelay $0x4  }
0x62: {  	v63 =	vshll.u32 v3, $0x3  }
0x63: {  	v3 =	vand.u32 $0x7, v3;
	v4 =	vand.u32 $0xFFFFFFC0, v63  }
0x64: {  	v3 =	vor.u32 v3, v4  }
0x65: {  	v4 =	vperm.xlane v3, v0;
	_ =	sdelay $0x1  }
0x66: {  	v4 =	vadd.s32 v1, v4;
	_ =	sdelay $0x4  }
0x67: {  	[hbm4b:s3+s2] =	stream.indirect_vreg.scatter [tilespmem:s19], [sflag:$0x1], $0x80, v4, vm0, $0xb8;
	[tilespmem:$0x8080] =	vst v63  }
0x68: {  	v3 =	vperm.xlane v3, v2  }
0x69: {  	[hbm4b:s4+s2] =	stream.indirect_vreg.scatter [tilespmem:s20], [sflag:$0x1], $0x80, v4, vm0, $0xb8;
	[tilespmem:$0x8080] =	vst v63  }
0x6a: {  	v3 =	vadd.s32 v1, v3  }
0x6b: {  	[hbm4b:s5+s2] =	stream.indirect_vreg.scatter [tilespmem:s21], [sflag:$0x1], $0x80, v4, vm0, $0xb8;
	[tilespmem:$0x8080] =	vst v63  }
0x6c: {  	_ = 	snop  }
0x6d: {  	[hbm4b:s6+s2] =	stream.indirect_vreg.scatter [tilespmem:s22], [sflag:$0x1], $0x80, v4, vm0, $0xb8;
	[tilespmem:$0x8080] =	vst v63  }
0x6e: {  	_ = 	snop  }
0x6f: {  	[hbm4b:s3+s2] =	stream.indirect_vreg.scatter [tilespmem:s23], [sflag:$0x1], $0x80, v3, vm0, $0xb8;
	[tilespmem:$0x8080] =	vst v63  }
0x70: {  	_ = 	snop  }
0x71: {  	[hbm4b:s4+s2] =	stream.indirect_vreg.scatter [tilespmem:s24], [sflag:$0x1], $0x80, v3, vm0, $0xb8;
	[tilespmem:$0x8080] =	vst v63  }
0x72: {  	p0 =	sne.s32 s31, $0xC  }
0x73: {  	[hbm4b:s5+s2] =	stream.indirect_vreg.scatter [tilespmem:s25], [sflag:$0x1], $0x80, v3, vm0, $0xb8;
	[tilespmem:$0x8080] =	vst v63  }
.Ltmp0:
0x74: {  	_ = 	snop;
	(pc) =	sbr.rel @p0 .LBB2_2-.Ltmp0, $4  }
0x75: {  	[hbm4b:s6+s2] =	stream.indirect_vreg.scatter [tilespmem:s26], [sflag:$0x1], $0x80, v3, vm0, $0xb8;
	[tilespmem:$0x8080] =	vst v63  }
0x76: {  	_ =	swait.ge [sflag:s28], $0x8000  }
0x77: {  	[sflag:s28] =	ssyncset.done $0x0  }
0x78: {  	s30 =	sadd.s32 $0x1000, s30;
	s31 =	sadd.s32 $0x4, s31;
	[sflag:s28] =	ssyncadd.s32 $0xFFFF8000  }
0x79: {  	s29 =	sadd.s32 $0x1, s29  }
0x7a: {  	p0 =	sne.s32 s29, s7  }
.Ltmp1:
0x7b: {  	_ = 	snop;
	(pc) =	sbr.rel @p0 .LBB2_1-.Ltmp1, $1  }
0x7c: {  	_ =	sdelay $0x3  }
0x7d: {  	_ =	sfence.sel $0x180000  }
0x7e: {  	[bflag:$0x0] =	sbarrier.arrive $0xFFFF  }
0x7f: {  	_ =	strace $0x90000047  }
0x80: {  	[bflag:$0x2] =	sbarrier.arrive $0xFFFF  }
0x81: {  	p0 =	sne.s32 s1, $0x0;
	s0 =	rddreg [dreg:$0x2]  }
0x82: {  	s0 =	sadd.s32 @!p0 $0x100000, s0  }
0x83: {  	[sflag:s0] =	ssyncadd.tile.s32 @!p0 $0x1;
	_ =	shalt  }
.Lfunc_end2:
_tile_overlayer_lowered:
.L_overlay_start_2:
0x84: {  	(tag) =	ssettag $0x2  }
0x85: {  	s0 =	rddreg [dreg:$0x0];
	s2 =	stileid.u32  }
0x86: {  	s1 =	rddreg [dreg:$0x1];
	p0 =	sne.s32 s2, $0x0  }
0x87: {  	s3 =	rddreg [dreg:$0x2];
	[bflag:$0x3] =	sbarrier.arrive $0xFFFF;
	s2 =	simm.s32 @!p0 $0x1C02  }
0x88: {  	[timem:s3], [sflag:s2] =	dma.local @!p0 [hbm:s0], s1  }
0x89: {  	s0 =	simm.s32 @!p0 $0x2  }
0x8a: {  	_ =	swait.ge @!p0 [sflag:s0], s1  }
0x8b: {  	s1 =	ssub.s32 @!p0 $0x0, s1;
	[sflag:s0] =	ssyncset.done @!p0 $0x0  }
0x8c: {  	[sflag:s0] =	ssyncadd.s32 @!p0 s1  }
0x8d: {  	[bflag:$0x3] =	sbarrier.arrive $0xFFFF  }
0x8e: {  	_ =	shalt  }

// kernel: kernel.14.cloned.1.call-start
scs
__scs_entry_jumppad:
0x0: {  	(pc) =	sbr.rel $0x88, $3  }
0x1: {  	(tag) =	ssettag $0x0;
	lr =	simm.s32 $0x1  }
0x2: {  	[smem:$0x3F8C] =	sst lr;
	_ =	strace $0xD0000000  }
0x3: {  	_ = 	snop  }
0x4: {  	_ = 	snop  }
0x5: {  	_ = 	snop  }
0x6: {  	_ = 	snop  }
0x7: {  	_ = 	snop  }
__scs_overlays_trampoline_lowered:
0x8: {  	[smem:$0x3F9B] =	sst s0  }
0x9: {  	[smem:$0x3F9C] =	sst s1  }
0xa: {  	[smem:$0x3F9D] =	sst s2  }
0xb: {  	[smem:$0x3F9E] =	sst s3  }
0xc: {  	[smem:$0x3F9F] =	sst s4  }
0xd: {  	[smem:$0x3FA0] =	sst s5  }
0xe: {  	[smem:$0x3FA1] =	sst s6  }
0xf: {  	[smem:$0x3FA2] =	sst s7  }
0x10: {  	[smem:$0x3FA3] =	sst s8  }
0x11: {  	[smem:$0x3FA4] =	sst s9;
	s0 =	simm.s32 @!p0 $0x0  }
0x12: {  	s1 =	sld [smem:$0x3F8A];
	s0 =	simm.s32 @p0 $0x1  }
0x13: {  	[smem:$0x3FA5] =	sst s0;
	s0 =	simm.s32 @!p1 $0x0  }
0x14: {  	s2 =	sld [smem:$0x3F89];
	s0 =	simm.s32 @p1 $0x1  }
0x15: {  	[smem:$0x3FA6] =	sst s0;
	s0 =	simm.s32 @!p2 $0x0  }
0x16: {  	s3 =	sld [smem:$0x3FDB];
	s0 =	simm.s32 @p2 $0x1  }
0x17: {  	s4 =	simm.s32 $0x1BF5;
	[smem:$0x3FA8] =	sst s0  }
0x18: {  	s0 =	sld [smem:$0x3F8B];
	_ =	swait.ge [sflag:s4], $0x0  }
0x19: {  	s7 =	sld [smem:$0x3F8C]  }
0x1a: {  	s8 =	sadd.s32 $0xFFFFE003, lr  }
0x1b: {  	s9 =	sadd.s32 $0xFFFFFEF7, lr;
	s5 =	simm.s32 $0xFFFFFFFF;
	p2 =	slt.u32 s8, $0xFFFFF086  }
0x1c: {  	p1 =	slt.u32 s9, $0xF7A;
	s5 =	simm.s32 @!p2 $0x0  }
0x1d: {  	s5 =	simm.s32 @p1 $0x1;
	p0 =	seq.s32 s7, s2  }
0x1e: {  	s7 =	smul.u32 @!p0 $0xF7A, s2;
	p2 =	seq.s32 @!p0 s5, $0x0  }
0x1f: {  	s9 =	smul.u32 $0xF7A, s1;
	s8 =	simm.s32 @!p0 $0x1BF5;
	p2 =	por !p2, p0  }
0x20: {  	[sflag:s8] =	ssyncset.s32 @!p0 $0xFFFFF086;
	s6 =	sadd.s32 @!p0 s3, s7;
	s7 =	simm.s32 @!p0 $0x108  }
0x21: {  	s3 =	sadd.s32 s3, s9;
	s6 =	sadd.s32 @!p0 $0x88, s6;
	s7 =	simm.s32 @p2 $0x1082  }
0x22: {  	[simem:s7], [sflag:s8] =	dma.local @!p0 [hbm:s6], $0xF7A  }
0x23: {  	s9 =	sor.u32 $0xD0000000, s2;
	s6 =	simm.s32 $0x108;
	_ =	swait.ge @!p0 [sflag:s8], $0x0  }
0x24: {  	s3 =	sadd.s32 $0x88, s3;
	s6 =	simm.s32 @!p1 $0x1082;
	[sflag:s4] =	ssyncset.s32 $0xFFFFF086  }
0x25: {  	[simem:s6], [sflag:s4] =	dma.local [hbm:s3], $0xF7A  }
0x26: {  	[smem:$0x3F8C] =	sst s1;
	(tag) =	ssettag s2;
	_ =	strace s9  }
0x27: {  	s1 =	sld [smem:$0x3F9C]  }
0x28: {  	s2 =	sld [smem:$0x3F9D]  }
0x29: {  	s4 =	sld [smem:$0x3F9F]  }
0x2a: {  	p0 =	seq.s32 s5, $0x0;
	s5 =	sld [smem:$0x3FA0]  }
0x2b: {  	s6 =	sld [smem:$0x3FA1]  }
0x2c: {  	s7 =	sld [smem:$0x3FA2]  }
0x2d: {  	s3 =	simm.s32 $0x108;
	s8 =	sld [smem:$0x3FA3]  }
0x2e: {  	s3 =	simm.s32 @!p0 $0x1082;
	s9 =	sld [smem:$0x3FA4]  }
0x2f: {  	lr =	sadd.s32 s0, s3;
	s0 =	sld [smem:$0x3F9B]  }
0x30: {  	s3 =	sld [smem:$0x3F9E]  }
0x31: {  	[smem:$0x3FA7] =	sst s10  }
0x32: {  	s10 =	sld [smem:$0x3FA5];
	_ =	sdelay $0x3  }
0x33: {  	p0 =	seq.s32 s10, $0x1;
	s10 =	sld [smem:$0x3FA7];
	_ =	sdelay $0x3  }
0x34: {  	[smem:$0x3FA7] =	sst s10  }
0x35: {  	s10 =	sld [smem:$0x3FA6];
	_ =	sdelay $0x3  }
0x36: {  	p1 =	seq.s32 s10, $0x1;
	s10 =	sld [smem:$0x3FA7];
	_ =	sdelay $0x3  }
0x37: {  	[smem:$0x3FA7] =	sst s10  }
0x38: {  	s10 =	sld [smem:$0x3FA8]  }
0x39: {  	_ = 	snop;
	(pc) =	sbr.ind lr, $3  }
0x3a: {  	_ = 	snop  }
0x3b: {  	_ = 	snop  }
0x3c: {  	p2 =	seq.s32 s10, $0x1;
	s10 =	sld [smem:$0x3FA7]  }
0x3d: {  	_ =	shalt  }
0x3e: {  	_ =	shalt  }
0x3f: {  	_ =	shalt  }
0x40: {  	_ =	shalt  }
0x41: {  	_ =	shalt  }
0x42: {  	_ =	shalt  }
0x43: {  	_ =	shalt  }
0x44: {  	_ =	shalt  }
0x45: {  	_ =	shalt  }
0x46: {  	_ =	shalt  }
0x47: {  	_ =	shalt  }
0x48: {  	_ =	shalt  }
0x49: {  	_ =	shalt  }
0x4a: {  	_ =	shalt  }
0x4b: {  	_ =	shalt  }
0x4c: {  	_ =	shalt  }
0x4d: {  	_ =	shalt  }
0x4e: {  	_ =	shalt  }
0x4f: {  	_ =	shalt  }
0x50: {  	_ =	shalt  }
0x51: {  	_ =	shalt  }
0x52: {  	_ =	shalt  }
0x53: {  	_ =	shalt  }
0x54: {  	_ =	shalt  }
0x55: {  	_ =	shalt  }
0x56: {  	_ =	shalt  }
0x57: {  	_ =	shalt  }
0x58: {  	_ =	shalt  }
0x59: {  	_ =	shalt  }
0x5a: {  	_ =	shalt  }
0x5b: {  	_ =	shalt  }
0x5c: {  	_ =	shalt  }
0x5d: {  	_ =	shalt  }
0x5e: {  	_ =	shalt  }
0x5f: {  	_ =	shalt  }
0x60: {  	_ =	shalt  }
0x61: {  	_ =	shalt  }
0x62: {  	_ =	shalt  }
0x63: {  	_ =	shalt  }
0x64: {  	_ =	shalt  }
0x65: {  	_ =	shalt  }
0x66: {  	_ =	shalt  }
0x67: {  	_ =	shalt  }
0x68: {  	_ =	shalt  }
0x69: {  	_ =	shalt  }
0x6a: {  	_ =	shalt  }
0x6b: {  	_ =	shalt  }
0x6c: {  	_ =	shalt  }
0x6d: {  	_ =	shalt  }
0x6e: {  	_ =	shalt  }
0x6f: {  	_ =	shalt  }
0x70: {  	_ =	shalt  }
0x71: {  	_ =	shalt  }
0x72: {  	_ =	shalt  }
0x73: {  	_ =	shalt  }
0x74: {  	_ =	shalt  }
0x75: {  	_ =	shalt  }
0x76: {  	_ =	shalt  }
0x77: {  	_ =	shalt  }
0x78: {  	_ =	shalt  }
0x79: {  	_ =	shalt  }
0x7a: {  	_ =	shalt  }
0x7b: {  	_ =	shalt  }
0x7c: {  	_ =	shalt  }
0x7d: {  	_ =	shalt  }
0x7e: {  	_ =	shalt  }
0x7f: {  	_ =	shalt  }
0x80: {  	_ =	shalt  }
0x81: {  	_ =	shalt  }
0x82: {  	_ =	shalt  }
0x83: {  	_ =	shalt  }
0x84: {  	_ =	shalt  }
0x85: {  	_ =	shalt  }
0x86: {  	_ =	shalt  }
0x87: {  	_ =	shalt  }
.Lfunc_end0:
.L_simem_size_0:
called_computation.1_lowered:
.L_overlay_start_0:
0x88: {  	s2 =	sld [smem:$0x3FD9]  }
0x89: {  	s3 =	sld [smem:$0x3FFE];
	_ =	sdelay $0x1  }
0x8a: {  	s1 =	srdreg.scid  }
0x8b: {  	s0 =	sand.u32 $0x1, s1  }
0x8c: {  	s16 =	sshll.u32 s0, $0xA;
	s2 =	sadd.s32 s3, s2  }
0x8d: {  	s2 =	sadd.s32 s2, s16  }
0x8e: {  	[smem:$0x3FB3] =	sst s2  }
0x8f: {  	_ = 	snop  }
0x90: {  	(tm) =	ssettm $0x1  }
0x91: {  	s17 =	sld [smem:$0x3FFB];
	_ =	sdelay $0x3  }
0x92: {  	_ =	strace s17  }
0x93: {  	s2 =	sld [smem:$0x3FFC];
	_ =	sdelay $0x3  }
0x94: {  	_ =	strace s2  }
0x95: {  	s2 =	sld [smem:$0x3FFD];
	_ =	sdelay $0x3  }
0x96: {  	_ =	strace s2  }
0x97: {  	_ =	strace $0x8FFFFFFF  }
0x98: {  	s18 =	sld [smem:$0x3FDB];
	_ =	sdelay $0x1  }
0x99: {  	s19 =	simm.s32 $_scs_section_size  }
0x9a: {  	s4 =	simm.s32 $_size__tile_overlayer_lowered;
	s5 =	simm.s32 $_tile_overlayer_lowered  }
0x9b: {  	s22 =	simm.s32 $0x1BFF;
	s21 =	sshll.u32 s5, $0x1;
	s2 =	sadd.s32 s19, s18  }
0x9c: {  	s6 =	simm.s32 $0x0;
	s20 =	sshll.u32 s4, $0x1;
	s4 =	sadd.s32 s21, s2  }
0x9d: {  	[timem:s6], [sflag:s22] =	dma.local [hbm:s4], s20  }
0x9e: {  	_ =	swait.ge [sflag:s22], s20  }
0x9f: {  	s3 =	ssub.s32 $0x0, s20;
	[sflag:s22] =	ssyncset.done $0x0  }
0xa0: {  	[sflag:s22] =	ssyncadd.s32 s3;
	_ =	sdelay $0x1  }
0xa1: {  	s23 =	simm.s32 $0x1B8B  }
0xa2: {  	_ =	swait.ge [sflag:s23], $0x1  }
0xa3: {  	[sflag:s23] =	ssyncset.done $0x0  }
0xa4: {  	s25 =	simm.s32 $0x1B8E;
	s24 =	sld [smem:$0x3FFE];
	[sflag:s23] =	ssyncadd.s32 $0xFFFFFFFF  }
0xa5: {  	s26 =	simm.s32 $execute0_lowered;
	[smem:$0x3FD2] =	sst s25  }
0xa6: {  	s4 =	sshll.u32 s26, $0x1;
	_ =	strace $0x80000049;
	[dreg:$0x1] =	wrdreg $0xFFFFFFFF  }
0xa7: {  	s28 =	simm.s32 $_size_execute0_lowered;
	s2 =	sadd.s32 s2, s4;
	[dreg:$0x0] =	wrdreg $0x0  }
0xa8: {  	s4 =	sshll.u32 s28, $0x1;
	[dreg:$0x2] =	wrdreg s2  }
0xa9: {  	[dreg:$0x3] =	wrdreg s4  }
0xaa: {  	[dreg:$0x4] =	wrdreg $0xC0  }
0xab: {  	_ =	task [dreg:s6], $0x5FFFF  }
0xac: {  	[dreg:$0x1] =	wrdreg $0xFFFFFFFF  }
0xad: {  	[dreg:$0x0] =	wrdreg $0x60  }
0xae: {  	[dreg:$0x2] =	wrdreg s24  }
0xaf: {  	[dreg:$0x3] =	wrdreg $0x9  }
0xb0: {  	_ =	task.clear_ibuf [dreg:s6], $0x4FFFF;
	_ =	strace $0x90000049  }
0xb1: {  	s29 =	simm.s32 $0x9;
	_ =	strace $0x8000004B  }
0xb2: {  	_ =	swait.ge [sflag:s29], $0x1  }
0xb3: {  	[sflag:s29] =	ssyncadd.s32 $0xFFFFFFFF  }
0xb4: {  	_ =	strace $0x9000004B  }
0xb5: {  	_ =	sfence  }
0xb6: {  	s30 =	sld [smem:$0x0];
	_ =	sdelay $0x2  }
0xb7: {  	s31 =	sshll.u32 s1, $0xD;
	s1 =	sshrl.u32 s1, $0x2  }
0xb8: {  	s3 =	sand.u32 $0x4000, s31;
	s1 =	sadd.s32 s1, s30  }
0xb9: {  	s0 =	sor.u32 s3, s0;
	s1 =	sshll.u32 s1, $0x11  }
0xba: {  	s0 =	sor.u32 s1, s0  }
0xbb: {  	s0 =	sadd.s32 $0x8F2B, s0  }
0xbc: {  	[sflag:s0] =	ssyncadd.remote.s32 $0x1  }
0xbd: {  	_ =	sfence.sel $0xFFFF  }
0xbe: {  	[dreg:$0x0] =	wrdreg $0xFFFFFFFF;
	(pc) =	sbr.abs _section_cstart, $3  }
0xbf: {  	[dreg:$0x1] =	wrdreg $0xFFFFFFFF  }
0xc0: {  	_ =	task.clear_ibuf [dreg:s6], $0x2FFFF;
	_ =	strace $0x9FFFFFFF  }
0xc1: {  	(tm) =	ssettm $0x7FFFFFFF  }
tec
execute0_lowered:
.L_overlay_start_1:
0x0: {  	(tag) =	ssettag $0x1  }
0x1: {  	s0 =	rddreg [dreg:$0x0]  }
0x2: {  	s3 =	srdreg.scid;
	s2 =	simm.s32 $0x0;
	s1 =	stileid.u32  }
0x3: {  	s11 =	simm.s32 $0x2;
	s12 =	simm.s32 $0x800;
	s13 =	simm.s32 $0x1000  }
0x4: {  	s14 =	simm.s32 $0x1800;
	s15 =	simm.s32 $0x2000;
	s16 =	simm.s32 $0x2800  }
0x5: {  	s17 =	simm.s32 $0x3000;
	s18 =	simm.s32 $0x3800;
	s19 =	simm.s32 $0x4000  }
0x6: {  	s20 =	simm.s32 $0x4800;
	s21 =	simm.s32 $0x5000;
	s22 =	simm.s32 $0x5800  }
0x7: {  	s23 =	simm.s32 $0x6000;
	s24 =	simm.s32 $0x6800;
	s28 =	simm.s32 $0x1  }
0x8: {  	s29 =	simm.s32 $0x0;
	s7 =	sand.u32 $0x1, s3;
	[smem:$0x7FF] =	sst s2  }
0x9: {  	s25 =	sshll.u32 s1, $0x8;
	s3 =	sadd.s32 $0x40C400, s0;
	s5 =	sshll.u32 s1, $0xF  }
0xa: {  	s4 =	sshll.u32 s7, $0x7;
	_ =	strace $0x8000004A;
	s8 =	sadd.s32 s5, s0  }
0xb: {  	s6 =	ssub.s32 $0x2, s7;
	s5 =	sadd.s32 $0x40C600, s0;
	s26 =	sshll.u32 s7, $0xE  }
0xc: {  	s4 =	sor.u32 s4, s25;
	s10 =	sshrl.u32 s6, $0x1;
	s25 =	simm.s32 $0x7000  }
0xd: {  	s4 =	sshrl.u32 s4, $0x3;
	s10 =	ssub.s32 s6, s10;
	s6 =	sadd.s32 $0x40C700, s0  }
0xe: {  	s9 =	sadd.s32 s4, s0;
	s4 =	sadd.s32 $0x40C500, s0;
	s7 =	smax.u32 s10, $0x1  }
0xf: {  	v2 =	vlaneseq.u32;
	s0 =	sadd.s32 s26, s8;
	s10 =	simm.s32 $0x8000;
	s30 =	sadd.s32 $0xE4200, s9  }
0x10: {  	vm0 =	vmmov $0xffff;
	v1 =	vshrl.u32 v2, $0x3;
	s26 =	simm.s32 $0x7800;
	s31 =	sadd.s32 $0xE4000, s9;
	[dreg:$0x2] =	wrdreg s30  }
0x11: {  	v0 =	vand.u32 $0x7, v2;
	v2 =	vor.u32 $0x8, v2;
	v1 =	vmul.u32 $0x8, v1;
	s8 =	sadd.s32 $0xE4400, s0;
	s9 =	sadd.s32 $0x164400, s0;
	[dreg:$0x3] =	wrdreg s31  }
.LBB2_1:
0x12: {  	s30 =	smov.u32 s9;
	s31 =	smov.u32 s8;
	s0 =	simm.s32 $0x0  }
.LBB2_2:
0x13: {  	s1 =	rddreg [dreg:$0x3]  }
0x14: {  	s1 =	sadd.s32 s0, s1  }
0x15: {  	[tilespmem:s10], [sflag:$0x2] =	stream.linear.gather [hbm4b:s1+s2], $0x20, $0x38;
	[tilespmem:$0x8080] =	vst v63  }
0x16: {  	_ =	swait.ge [sflag:s11], $0x20  }
0x17: {  	[sflag:s11] =	ssyncset.done $0x0  }
0x18: {  	[sflag:s11] =	ssyncadd.s32 $0xFFFFFFE0  }
0x19: {  	v3 =	vld [tilespmem:$0x8000];
	_ =	sdelay $0x4  }
0x1a: {  	v4 =	vshll.u32 v3, $0x3  }
0x1b: {  	v3 =	vand.u32 $0x7, v3;
	v4 =	vand.u32 $0xFFFFFFC0, v4  }
0x1c: {  	v3 =	vor.u32 v3, v4  }
0x1d: {  	v4 =	vperm.xlane v3, v0;
	_ =	sdelay $0x1  }
0x1e: {  	v4 =	vadd.s32 v1, v4;
	_ =	sdelay $0x4  }
0x1f: {  	[tilespmem:s2], [sflag:$0x1] =	stream.indirect_vreg.gather [hbm4b:s3+s2], $0x80, v4, vm0, $0xb8;
	[tilespmem:$0x8080] =	vst v63  }
0x20: {  	v3 =	vperm.xlane v3, v2  }
0x21: {  	[tilespmem:s12], [sflag:$0x1] =	stream.indirect_vreg.gather [hbm4b:s4+s2], $0x80, v4, vm0, $0xb8;
	[tilespmem:$0x8080] =	vst v63  }
0x22: {  	v3 =	vadd.s32 v1, v3  }
0x23: {  	[tilespmem:s13], [sflag:$0x1] =	stream.indirect_vreg.gather [hbm4b:s5+s2], $0x80, v4, vm0, $0xb8;
	[tilespmem:$0x8080] =	vst v63  }
0x24: {  	_ = 	snop  }
0x25: {  	[tilespmem:s14], [sflag:$0x1] =	stream.indirect_vreg.gather [hbm4b:s6+s2], $0x80, v4, vm0, $0xb8;
	[tilespmem:$0x8080] =	vst v63  }
0x26: {  	_ = 	snop  }
0x27: {  	[tilespmem:s15], [sflag:$0x1] =	stream.indirect_vreg.gather [hbm4b:s3+s2], $0x80, v3, vm0, $0xb8;
	[tilespmem:$0x8080] =	vst v63  }
0x28: {  	_ = 	snop  }
0x29: {  	[tilespmem:s16], [sflag:$0x1] =	stream.indirect_vreg.gather [hbm4b:s4+s2], $0x80, v3, vm0, $0xb8;
	[tilespmem:$0x8080] =	vst v63  }
0x2a: {  	_ = 	snop  }
0x2b: {  	[tilespmem:s17], [sflag:$0x1] =	stream.indirect_vreg.gather [hbm4b:s5+s2], $0x80, v3, vm0, $0xb8;
	[tilespmem:$0x8080] =	vst v63  }
0x2c: {  	_ = 	snop  }
0x2d: {  	[tilespmem:s18], [sflag:$0x1] =	stream.indirect_vreg.gather [hbm4b:s6+s2], $0x80, v3, vm0, $0xb8;
	[tilespmem:$0x8080] =	vst v63  }
0x2e: {  	v3 =	vld [tilespmem:$0x8010];
	_ =	sdelay $0x4  }
0x2f: {  	v61 =	vshll.u32 v3, $0x3  }
0x30: {  	v3 =	vand.u32 $0x7, v3;
	v4 =	vand.u32 $0xFFFFFFC0, v61  }
0x31: {  	v3 =	vor.u32 v3, v4  }
0x32: {  	v4 =	vperm.xlane v3, v0;
	_ =	sdelay $0x1  }
0x33: {  	v4 =	vadd.s32 v1, v4;
	_ =	sdelay $0x4  }
0x34: {  	[tilespmem:s19], [sflag:$0x1] =	stream.indirect_vreg.gather [hbm4b:s3+s2], $0x80, v4, vm0, $0xb8;
	[tilespmem:$0x8080] =	vst v63  }
0x35: {  	v3 =	vperm.xlane v3, v2  }
0x36: {  	[tilespmem:s20], [sflag:$0x1] =	stream.indirect_vreg.gather [hbm4b:s4+s2], $0x80, v4, vm0, $0xb8;
	[tilespmem:$0x8080] =	vst v63  }
0x37: {  	v3 =	vadd.s32 v1, v3  }
0x38: {  	[tilespmem:s21], [sflag:$0x1] =	stream.indirect_vreg.gather [hbm4b:s5+s2], $0x80, v4, vm0, $0xb8;
	[tilespmem:$0x8080] =	vst v63  }
0x39: {  	_ = 	snop  }
0x3a: {  	[tilespmem:s22], [sflag:$0x1] =	stream.indirect_vreg.gather [hbm4b:s6+s2], $0x80, v4, vm0, $0xb8;
	[tilespmem:$0x8080] =	vst v63  }
0x3b: {  	_ = 	snop  }
0x3c: {  	[tilespmem:s23], [sflag:$0x1] =	stream.indirect_vreg.gather [hbm4b:s3+s2], $0x80, v3, vm0, $0xb8;
	[tilespmem:$0x8080] =	vst v63  }
0x3d: {  	_ = 	snop  }
0x3e: {  	[tilespmem:s24], [sflag:$0x1] =	stream.indirect_vreg.gather [hbm4b:s4+s2], $0x80, v3, vm0, $0xb8;
	[tilespmem:$0x8080] =	vst v63  }
0x3f: {  	_ = 	snop  }
0x40: {  	[tilespmem:s25], [sflag:$0x1] =	stream.indirect_vreg.gather [hbm4b:s5+s2], $0x80, v3, vm0, $0xb8;
	[tilespmem:$0x8080] =	vst v63  }
0x41: {  	_ = 	snop  }
0x42: {  	[tilespmem:s26], [sflag:$0x1] =	stream.indirect_vreg.gather [hbm4b:s6+s2], $0x80, v3, vm0, $0xb8;
	[tilespmem:$0x8080] =	vst v63  }
0x43: {  	_ =	swait.ge [sflag:s28], $0x8000  }
0x44: {  	[sflag:s28] =	ssyncset.done $0x0  }
0x45: {  	[sflag:s28] =	ssyncadd.s32 $0xFFFF8000  }
0x46: {  	[hbm4b:s31+s2] =	stream.linear.scatter [tilespmem:s2], [sflag:$0x2], $0x8000, $0x38;
	[tilespmem:$0x8080] =	vst v63  }
0x47: {  	_ =	swait.ge [sflag:s11], $0x8000  }
0x48: {  	s1 =	rddreg [dreg:$0x2];
	[sflag:s11] =	ssyncset.done $0x0  }
0x49: {  	[sflag:s11] =	ssyncadd.s32 $0xFFFF8000;
	s1 =	sadd.s32 s0, s1  }
0x4a: {  	[tilespmem:s10], [sflag:$0x2] =	stream.linear.gather [hbm4b:s1+s2], $0x20, $0x38;
	[tilespmem:$0x8080] =	vst v63  }
0x4b: {  	_ =	swait.ge [sflag:s11], $0x20  }
0x4c: {  	[sflag:s11] =	ssyncset.done $0x0  }
0x4d: {  	[sflag:s11] =	ssyncadd.s32 $0xFFFFFFE0  }
0x4e: {  	v3 =	vld [tilespmem:$0x8000];
	_ =	sdelay $0x4  }
0x4f: {  	v62 =	vshll.u32 v3, $0x3  }
0x50: {  	v3 =	vand.u32 $0x7, v3;
	v4 =	vand.u32 $0xFFFFFFC0, v62  }
0x51: {  	v3 =	vor.u32 v3, v4  }
0x52: {  	v4 =	vperm.xlane v3, v0;
	_ =	sdelay $0x1  }
0x53: {  	v4 =	vadd.s32 v1, v4;
	_ =	sdelay $0x4  }
0x54: {  	[tilespmem:s2], [sflag:$0x1] =	stream.indirect_vreg.gather [hbm4b:s3+s2], $0x80, v4, vm0, $0xb8;
	[tilespmem:$0x8080] =	vst v63  }
0x55: {  	v3 =	vperm.xlane v3, v2  }
0x56: {  	[tilespmem:s12], [sflag:$0x1] =	stream.indirect_vreg.gather [hbm4b:s4+s2], $0x80, v4, vm0, $0xb8;
	[tilespmem:$0x8080] =	vst v63  }
0x57: {  	v3 =	vadd.s32 v1, v3  }
0x58: {  	[tilespmem:s13], [sflag:$0x1] =	stream.indirect_vreg.gather [hbm4b:s5+s2], $0x80, v4, vm0, $0xb8;
	[tilespmem:$0x8080] =	vst v63  }
0x59: {  	_ = 	snop  }
0x5a: {  	[tilespmem:s14], [sflag:$0x1] =	stream.indirect_vreg.gather [hbm4b:s6+s2], $0x80, v4, vm0, $0xb8;
	[tilespmem:$0x8080] =	vst v63  }
0x5b: {  	_ = 	snop  }
0x5c: {  	[tilespmem:s15], [sflag:$0x1] =	stream.indirect_vreg.gather [hbm4b:s3+s2], $0x80, v3, vm0, $0xb8;
	[tilespmem:$0x8080] =	vst v63  }
0x5d: {  	_ = 	snop  }
0x5e: {  	[tilespmem:s16], [sflag:$0x1] =	stream.indirect_vreg.gather [hbm4b:s4+s2], $0x80, v3, vm0, $0xb8;
	[tilespmem:$0x8080] =	vst v63  }
0x5f: {  	_ = 	snop  }
0x60: {  	[tilespmem:s17], [sflag:$0x1] =	stream.indirect_vreg.gather [hbm4b:s5+s2], $0x80, v3, vm0, $0xb8;
	[tilespmem:$0x8080] =	vst v63  }
0x61: {  	_ = 	snop  }
0x62: {  	[tilespmem:s18], [sflag:$0x1] =	stream.indirect_vreg.gather [hbm4b:s6+s2], $0x80, v3, vm0, $0xb8;
	[tilespmem:$0x8080] =	vst v63  }
0x63: {  	v3 =	vld [tilespmem:$0x8010];
	_ =	sdelay $0x4  }
0x64: {  	v63 =	vshll.u32 v3, $0x3  }
0x65: {  	v3 =	vand.u32 $0x7, v3;
	v4 =	vand.u32 $0xFFFFFFC0, v63  }
0x66: {  	v3 =	vor.u32 v3, v4  }
0x67: {  	v4 =	vperm.xlane v3, v0;
	_ =	sdelay $0x1  }
0x68: {  	v4 =	vadd.s32 v1, v4;
	_ =	sdelay $0x4  }
0x69: {  	[tilespmem:s19], [sflag:$0x1] =	stream.indirect_vreg.gather [hbm4b:s3+s2], $0x80, v4, vm0, $0xb8;
	[tilespmem:$0x8080] =	vst v63  }
0x6a: {  	v3 =	vperm.xlane v3, v2  }
0x6b: {  	[tilespmem:s20], [sflag:$0x1] =	stream.indirect_vreg.gather [hbm4b:s4+s2], $0x80, v4, vm0, $0xb8;
	[tilespmem:$0x8080] =	vst v63  }
0x6c: {  	v3 =	vadd.s32 v1, v3  }
0x6d: {  	[tilespmem:s21], [sflag:$0x1] =	stream.indirect_vreg.gather [hbm4b:s5+s2], $0x80, v4, vm0, $0xb8;
	[tilespmem:$0x8080] =	vst v63  }
0x6e: {  	_ = 	snop  }
0x6f: {  	[tilespmem:s22], [sflag:$0x1] =	stream.indirect_vreg.gather [hbm4b:s6+s2], $0x80, v4, vm0, $0xb8;
	[tilespmem:$0x8080] =	vst v63  }
0x70: {  	_ = 	snop  }
0x71: {  	[tilespmem:s23], [sflag:$0x1] =	stream.indirect_vreg.gather [hbm4b:s3+s2], $0x80, v3, vm0, $0xb8;
	[tilespmem:$0x8080] =	vst v63  }
0x72: {  	_ = 	snop  }
0x73: {  	[tilespmem:s24], [sflag:$0x1] =	stream.indirect_vreg.gather [hbm4b:s4+s2], $0x80, v3, vm0, $0xb8;
	[tilespmem:$0x8080] =	vst v63  }
0x74: {  	_ = 	snop  }
0x75: {  	[tilespmem:s25], [sflag:$0x1] =	stream.indirect_vreg.gather [hbm4b:s5+s2], $0x80, v3, vm0, $0xb8;
	[tilespmem:$0x8080] =	vst v63  }
0x76: {  	_ = 	snop  }
0x77: {  	[tilespmem:s26], [sflag:$0x1] =	stream.indirect_vreg.gather [hbm4b:s6+s2], $0x80, v3, vm0, $0xb8;
	[tilespmem:$0x8080] =	vst v63  }
0x78: {  	_ =	swait.ge [sflag:s28], $0x8000  }
0x79: {  	p0 =	sne.s32 s0, $0xC;
	[sflag:s28] =	ssyncset.done $0x0  }
.Ltmp0:
0x7a: {  	[sflag:s28] =	ssyncadd.s32 $0xFFFF8000;
	(pc) =	sbr.rel @p0 .LBB2_2-.Ltmp0, $4  }
0x7b: {  	[hbm4b:s30+s2] =	stream.linear.scatter [tilespmem:s2], [sflag:$0x2], $0x8000, $0x38;
	[tilespmem:$0x8080] =	vst v63  }
0x7c: {  	_ =	swait.ge [sflag:s11], $0x8000  }
0x7d: {  	s31 =	sadd.s32 $0x1000, s31;
	[sflag:s11] =	ssyncset.done $0x0  }
0x7e: {  	s0 =	sadd.s32 $0x4, s0;
	s30 =	sadd.s32 $0x1000, s30;
	[sflag:s11] =	ssyncadd.s32 $0xFFFF8000  }
0x7f: {  	s29 =	sadd.s32 $0x1, s29  }
0x80: {  	p0 =	sne.s32 s29, s7  }
.Ltmp1:
0x81: {  	_ = 	snop;
	(pc) =	sbr.rel @p0 .LBB2_1-.Ltmp1, $1  }
0x82: {  	_ =	sdelay $0x3  }
0x83: {  	_ =	sfence.sel $0x180000  }
0x84: {  	[bflag:$0x0] =	sbarrier.arrive $0xFFFF  }
0x85: {  	_ =	strace $0x9000004A  }
0x86: {  	s0 =	stileid.u32;
	[bflag:$0x2] =	sbarrier.arrive $0xFFFF  }
0x87: {  	p0 =	sne.s32 s0, $0x0;
	s0 =	rddreg [dreg:$0x1]  }
0x88: {  	s0 =	sadd.s32 @!p0 $0x100000, s0  }
0x89: {  	[sflag:s0] =	ssyncadd.tile.s32 @!p0 $0x1;
	_ =	shalt  }
.Lfunc_end2:
_tile_overlayer_lowered:
.L_overlay_start_2:
0x8a: {  	(tag) =	ssettag $0x2  }
0x8b: {  	s0 =	rddreg [dreg:$0x0];
	s2 =	stileid.u32  }
0x8c: {  	s1 =	rddreg [dreg:$0x1];
	p0 =	sne.s32 s2, $0x0  }
0x8d: {  	s3 =	rddreg [dreg:$0x2];
	[bflag:$0x3] =	sbarrier.arrive $0xFFFF;
	s2 =	simm.s32 @!p0 $0x1C02  }
0x8e: {  	[timem:s3], [sflag:s2] =	dma.local @!p0 [hbm:s0], s1  }
0x8f: {  	s0 =	simm.s32 @!p0 $0x2  }
0x90: {  	_ =	swait.ge @!p0 [sflag:s0], s1  }
0x91: {  	s1 =	ssub.s32 @!p0 $0x0, s1;
	[sflag:s0] =	ssyncset.done @!p0 $0x0  }
0x92: {  	[sflag:s0] =	ssyncadd.s32 @!p0 s1  }
0x93: {  	[bflag:$0x3] =	sbarrier.arrive $0xFFFF  }
0x94: {  	_ =	shalt  }

</sc_bundles>
